<compile_context>
chip_gen: v7x
topology: tpu7x:2x2x1
jax: 0.10.2.dev20260603
libtpu: 0.0.44.dev20260713+nightly
codegen_flags: <defaults>
</compile_context>

<pallas_src>
import functools

import jax
import jax.numpy as jnp
from jax import lax
from jax.experimental import pallas as pl
from jax.experimental.pallas import tpu as pltpu
from jax.experimental.pallas import tpu_sc as plsc

VOCAB = 1000000
DIM = 32
BATCH = 16384
SEQ = 50

_info = plsc.get_sparse_core_info()
_NC, _NS = _info.num_cores, _info.num_subcores
_NW = _NC * _NS

_BC = BATCH // _NW
_NSTR = _BC // 128


@functools.partial(
    pl.kernel,
    mesh=plsc.VectorSubcoreMesh(core_axis_name="c", subcore_axis_name="s"),
    compiler_params=pltpu.CompilerParams(
        use_tc_tiling_on_sc=False, needs_layout_passes=False),
    out_type=jax.ShapeDtypeStruct((SEQ, DIM, BATCH), jnp.float32),
    scratch_types=[
        pltpu.VMEM((_NSTR, 128), jnp.int32),
        pltpu.VMEM((_NSTR, 128), jnp.int32),
        pltpu.VMEM((_BC, DIM), jnp.float32),
        pltpu.VMEM((_BC, DIM), jnp.float32),
        pltpu.VMEM((DIM, _BC), jnp.float32),
        pltpu.VMEM((DIM, _BC), jnp.float32),
        pltpu.SemaphoreType.DMA,
        pltpu.SemaphoreType.DMA,
        pltpu.SemaphoreType.DMA,
        pltpu.SemaphoreType.DMA,
    ],
)
def _gather_kernel(x3, tab, out, idx0, idx1, rows0, rows1, planes0, planes1,
                   g0, g1, o0, o1):
  wid = lax.axis_index("s") * _NC + lax.axis_index("c")
  b0 = wid * _BC
  iota = lax.iota(jnp.int32, 16)
  dvecs = [jnp.full((16,), d, jnp.int32) for d in range(DIM)]

  def fire(s, idx_v, rows_v, gsem):
    pltpu.sync_copy(x3.at[s, pl.ds(wid * _NSTR, _NSTR)], idx_v)
    return [
        pltpu.async_copy(tab.at[idx_v.at[j]],
                         rows_v.at[pl.ds(j * 128, 128)], gsem)
        for j in range(_NSTR)
    ]

  def transpose(rows_v, planes_v):
    @plsc.parallel_loop(0, _BC // 16, unroll=2)
    def kloop(k):
      bvec = iota + k * 16
      vals = [plsc.load_gather(rows_v, [bvec, dvecs[d]]) for d in range(DIM)]
      for d in range(DIM):
        planes_v[d, pl.ds(k * 16, 16)] = vals[d]

  def pair(g, carry):
    a = 2 * g
    b = a + 1
    ca = fire(a, idx0, rows0, g0)
    cb = fire(b, idx1, rows1, g1)

    @pl.when(g > 0)
    def _drain_prev():
      pltpu.make_async_copy(
          planes0, out.at[a - 2, :, pl.ds(b0, _BC)], o0).wait()
      pltpu.make_async_copy(
          planes1, out.at[b - 2, :, pl.ds(b0, _BC)], o1).wait()

    for c in ca:
      c.wait()
    transpose(rows0, planes0)
    pltpu.async_copy(planes0, out.at[a, :, pl.ds(b0, _BC)], o0)

    for c in cb:
      c.wait()
    transpose(rows1, planes1)
    pltpu.async_copy(planes1, out.at[b, :, pl.ds(b0, _BC)], o1)
    return carry

  lax.fori_loop(0, SEQ // 2, pair, 0)
  pltpu.make_async_copy(
      planes0, out.at[SEQ - 2, :, pl.ds(b0, _BC)], o0).wait()
  pltpu.make_async_copy(
      planes1, out.at[SEQ - 1, :, pl.ds(b0, _BC)], o1).wait()


def kernel(X, table):
  x3 = X.T.reshape(SEQ, BATCH // 128, 128)
  out = _gather_kernel(x3, table)
  return out.transpose(2, 0, 1)

# --- scband reference (transcript-rebuilt; emitter-appended) ---
"""Pipeline reference for scband-embedding-29429115912620 (READ-ONLY COPY).

The authoritative reference and input builder live on the scoring server;
editing this copy changes nothing except your own understanding.
"""

import jax, jax.numpy as jnp
import numpy as np

VOCAB = 1000000
DIM = 32
PAD = 0

def setup_inputs(seed: int = 0) -> dict:
    key = jax.random.key(seed)
    k_idx, k_tab = jax.random.split(key)
    X = jax.random.randint(k_idx, (16384, 50), 0, VOCAB, dtype=jnp.int32)
    table = jax.random.normal(k_tab, (VOCAB, DIM), dtype=jnp.float32)
    # padding_idx row is zero-initialized in nn.Embedding
    table = table.at[PAD].set(0.0)
    return {"X": X, "table": table}

def reference(X, table):
    # faithful nn.Embedding with padding_idx: forward is a plain gather;
    # the padding row of the table is zero (enforced at init and kept zero).
    t = table.at[PAD].set(0.0)
    return jnp.take(t, X, axis=0)

if __name__ == "__main__":
    import jax
    _d = setup_inputs()
    print(jax.jit(kernel)(*tuple(_d.values())))

</pallas_src>

<mosaic_0001>
#map = affine_map<(d0, d1) -> (0, 0, 0)>
#map1 = affine_map<(d0, d1) -> (0, 0)>
module attributes {stable_mosaic.version = 14 : i64} {
  func.func @_gather_kernel(%arg0: i32, %arg1: i32, %arg2: memref<50x128x128xi32, #tpu.memory_space<hbm>>, %arg3: memref<1000000x32xf32, #tpu.memory_space<hbm>>, %arg4: memref<50x32x16384xf32, #tpu.memory_space<hbm>>, %arg5: memref<4x128xi32, #tpu.memory_space<vmem>>, %arg6: memref<4x128xi32, #tpu.memory_space<vmem>>, %arg7: memref<512x32xf32, #tpu.memory_space<vmem>>, %arg8: memref<512x32xf32, #tpu.memory_space<vmem>>, %arg9: memref<32x512xf32, #tpu.memory_space<vmem>>, %arg10: memref<32x512xf32, #tpu.memory_space<vmem>>, %arg11: memref<!tpu.dma_semaphore, #tpu.memory_space<semaphore_mem>>, %arg12: memref<!tpu.dma_semaphore, #tpu.memory_space<semaphore_mem>>, %arg13: memref<!tpu.dma_semaphore, #tpu.memory_space<semaphore_mem>>, %arg14: memref<!tpu.dma_semaphore, #tpu.memory_space<semaphore_mem>>) attributes {dimension_semantics = [#tpu.dimension_semantics<core_parallel>, #tpu.dimension_semantics<subcore_parallel>], iteration_bounds = array<i64: 2, 16>, scalar_prefetch = 0 : i64, scratch_operands = 10 : i64, tpu.core_type = #tpu.core_type<sc_vector_subcore>, window_params = [{transform_indices = #map}, {transform_indices = #map1}, {transform_indices = #map}]} {
    %mul3A = arith.constant 2 : i32
    %mul3A_0 = arith.muli %arg1, %mul3A : i32
    %add3A = arith.addi %mul3A_0, %arg0 : i32
    %mul3A_1 = arith.constant 512 : i32
    %mul3A_2 = arith.muli %add3A, %mul3A_1 : i32
    %iota3A = tpu.iota {dimensions = array<i32: 0>} : vector<16xi32>
    %broadcast_in_dim3A = arith.constant 0 : i32
    %broadcast_in_dim3A_3 = vector.broadcast %broadcast_in_dim3A : i32 to vector<16xi32>
    %broadcast_in_dim3A_4 = arith.constant 1 : i32
    %broadcast_in_dim3A_5 = vector.broadcast %broadcast_in_dim3A_4 : i32 to vector<16xi32>
    %broadcast_in_dim3A_6 = arith.constant 2 : i32
    %broadcast_in_dim3A_7 = vector.broadcast %broadcast_in_dim3A_6 : i32 to vector<16xi32>
    %broadcast_in_dim3A_8 = arith.constant 3 : i32
    %broadcast_in_dim3A_9 = vector.broadcast %broadcast_in_dim3A_8 : i32 to vector<16xi32>
    %broadcast_in_dim3A_10 = arith.constant 4 : i32
    %broadcast_in_dim3A_11 = vector.broadcast %broadcast_in_dim3A_10 : i32 to vector<16xi32>
    %broadcast_in_dim3A_12 = arith.constant 5 : i32
    %broadcast_in_dim3A_13 = vector.broadcast %broadcast_in_dim3A_12 : i32 to vector<16xi32>
    %broadcast_in_dim3A_14 = arith.constant 6 : i32
    %broadcast_in_dim3A_15 = vector.broadcast %broadcast_in_dim3A_14 : i32 to vector<16xi32>
    %broadcast_in_dim3A_16 = arith.constant 7 : i32
    %broadcast_in_dim3A_17 = vector.broadcast %broadcast_in_dim3A_16 : i32 to vector<16xi32>
    %broadcast_in_dim3A_18 = arith.constant 8 : i32
    %broadcast_in_dim3A_19 = vector.broadcast %broadcast_in_dim3A_18 : i32 to vector<16xi32>
    %broadcast_in_dim3A_20 = arith.constant 9 : i32
    %broadcast_in_dim3A_21 = vector.broadcast %broadcast_in_dim3A_20 : i32 to vector<16xi32>
    %broadcast_in_dim3A_22 = arith.constant 10 : i32
    %broadcast_in_dim3A_23 = vector.broadcast %broadcast_in_dim3A_22 : i32 to vector<16xi32>
    %broadcast_in_dim3A_24 = arith.constant 11 : i32
    %broadcast_in_dim3A_25 = vector.broadcast %broadcast_in_dim3A_24 : i32 to vector<16xi32>
    %broadcast_in_dim3A_26 = arith.constant 12 : i32
    %broadcast_in_dim3A_27 = vector.broadcast %broadcast_in_dim3A_26 : i32 to vector<16xi32>
    %broadcast_in_dim3A_28 = arith.constant 13 : i32
    %broadcast_in_dim3A_29 = vector.broadcast %broadcast_in_dim3A_28 : i32 to vector<16xi32>
    %broadcast_in_dim3A_30 = arith.constant 14 : i32
    %broadcast_in_dim3A_31 = vector.broadcast %broadcast_in_dim3A_30 : i32 to vector<16xi32>
    %broadcast_in_dim3A_32 = arith.constant 15 : i32
    %broadcast_in_dim3A_33 = vector.broadcast %broadcast_in_dim3A_32 : i32 to vector<16xi32>
    %broadcast_in_dim3A_34 = arith.constant 16 : i32
    %broadcast_in_dim3A_35 = vector.broadcast %broadcast_in_dim3A_34 : i32 to vector<16xi32>
    %broadcast_in_dim3A_36 = arith.constant 17 : i32
    %broadcast_in_dim3A_37 = vector.broadcast %broadcast_in_dim3A_36 : i32 to vector<16xi32>
    %broadcast_in_dim3A_38 = arith.constant 18 : i32
    %broadcast_in_dim3A_39 = vector.broadcast %broadcast_in_dim3A_38 : i32 to vector<16xi32>
    %broadcast_in_dim3A_40 = arith.constant 19 : i32
    %broadcast_in_dim3A_41 = vector.broadcast %broadcast_in_dim3A_40 : i32 to vector<16xi32>
    %broadcast_in_dim3A_42 = arith.constant 20 : i32
    %broadcast_in_dim3A_43 = vector.broadcast %broadcast_in_dim3A_42 : i32 to vector<16xi32>
    %broadcast_in_dim3A_44 = arith.constant 21 : i32
    %broadcast_in_dim3A_45 = vector.broadcast %broadcast_in_dim3A_44 : i32 to vector<16xi32>
    %broadcast_in_dim3A_46 = arith.constant 22 : i32
    %broadcast_in_dim3A_47 = vector.broadcast %broadcast_in_dim3A_46 : i32 to vector<16xi32>
    %broadcast_in_dim3A_48 = arith.constant 23 : i32
    %broadcast_in_dim3A_49 = vector.broadcast %broadcast_in_dim3A_48 : i32 to vector<16xi32>
    %broadcast_in_dim3A_50 = arith.constant 24 : i32
    %broadcast_in_dim3A_51 = vector.broadcast %broadcast_in_dim3A_50 : i32 to vector<16xi32>
    %broadcast_in_dim3A_52 = arith.constant 25 : i32
    %broadcast_in_dim3A_53 = vector.broadcast %broadcast_in_dim3A_52 : i32 to vector<16xi32>
    %broadcast_in_dim3A_54 = arith.constant 26 : i32
    %broadcast_in_dim3A_55 = vector.broadcast %broadcast_in_dim3A_54 : i32 to vector<16xi32>
    %broadcast_in_dim3A_56 = arith.constant 27 : i32
    %broadcast_in_dim3A_57 = vector.broadcast %broadcast_in_dim3A_56 : i32 to vector<16xi32>
    %broadcast_in_dim3A_58 = arith.constant 28 : i32
    %broadcast_in_dim3A_59 = vector.broadcast %broadcast_in_dim3A_58 : i32 to vector<16xi32>
    %broadcast_in_dim3A_60 = arith.constant 29 : i32
    %broadcast_in_dim3A_61 = vector.broadcast %broadcast_in_dim3A_60 : i32 to vector<16xi32>
    %broadcast_in_dim3A_62 = arith.constant 30 : i32
    %broadcast_in_dim3A_63 = vector.broadcast %broadcast_in_dim3A_62 : i32 to vector<16xi32>
    %broadcast_in_dim3A_64 = arith.constant 31 : i32
    %broadcast_in_dim3A_65 = vector.broadcast %broadcast_in_dim3A_64 : i32 to vector<16xi32>
    %scan3A = arith.constant 0 : i32
    %scan3A_66 = arith.constant 0 : i32
    %scan3A_67 = arith.constant 25 : i32
    %scan3A_68 = arith.addi %scan3A_66, %scan3A_67 : i32
    %scan3A_69 = arith.constant 1 : i32
    scf.for %scan3A_84 = %scan3A_66 to %scan3A_68 step %scan3A_69  : i32 {
      %mul3A_85 = arith.constant 2 : i32
      %mul3A_86 = arith.muli %mul3A_85, %scan3A_84 : i32
      %add3A_87 = arith.constant 1 : i32
      %add3A_88 = arith.addi %mul3A_86, %add3A_87 : i32
      %mul3A_89 = arith.constant 4 : i32
      %mul3A_90 = arith.muli %add3A, %mul3A_89 : i32
      "tpu.region"() ({
        %run_scoped3A = tpu.sem_alloc : memref<!tpu.dma_semaphore, #tpu.memory_space<semaphore_mem>>
        %dma_start3A_271 = arith.constant 0 : i32
        %dma_start3A_272 = tpu.memref_slice %arg2[%mul3A_86, %mul3A_90, %dma_start3A_271] : memref<50x128x128xi32, #tpu.memory_space<hbm>> -> memref<1x4x128xi32, #tpu.memory_space<hbm>>
        %dma_start3A_273 = tpu.memref_squeeze %dma_start3A_272 : memref<1x4x128xi32, #tpu.memory_space<hbm>> -> memref<4x128xi32, #tpu.memory_space<hbm>>
        %dma_start3A_274 = arith.constant 0 : i32
        %dma_start3A_275 = tpu.memref_slice %arg2[%mul3A_86, %mul3A_90, %dma_start3A_274] : memref<50x128x128xi32, #tpu.memory_space<hbm>> -> memref<1x4x128xi32, #tpu.memory_space<hbm>>
        %dma_start3A_276 = tpu.memref_squeeze %dma_start3A_275 : memref<1x4x128xi32, #tpu.memory_space<hbm>> -> memref<4x128xi32, #tpu.memory_space<hbm>>
        tpu.enqueue_dma source(%dma_start3A_276 : memref<4x128xi32, #tpu.memory_space<hbm>>) target(%arg5 : memref<4x128xi32, #tpu.memory_space<vmem>>) target_semaphore(%run_scoped3A : memref<!tpu.dma_semaphore, #tpu.memory_space<semaphore_mem>>)
        %dma_wait3A_277 = arith.constant 0 : i32
        %dma_wait3A_278 = tpu.memref_slice %arg2[%mul3A_86, %mul3A_90, %dma_wait3A_277] : memref<50x128x128xi32, #tpu.memory_space<hbm>> -> memref<1x4x128xi32, #tpu.memory_space<hbm>>
        %dma_wait3A_279 = tpu.memref_squeeze %dma_wait3A_278 : memref<1x4x128xi32, #tpu.memory_space<hbm>> -> memref<4x128xi32, #tpu.memory_space<hbm>>
        %dma_wait3A_280 = arith.constant 0 : i32
        %dma_wait3A_281 = tpu.memref_slice %arg2[%mul3A_86, %mul3A_90, %dma_wait3A_280] : memref<50x128x128xi32, #tpu.memory_space<hbm>> -> memref<1x4x128xi32, #tpu.memory_space<hbm>>
        %dma_wait3A_282 = tpu.memref_squeeze %dma_wait3A_281 : memref<1x4x128xi32, #tpu.memory_space<hbm>> -> memref<4x128xi32, #tpu.memory_space<hbm>>
        tpu.wait_dma2 semaphore(%run_scoped3A : memref<!tpu.dma_semaphore, #tpu.memory_space<semaphore_mem>>) src(%dma_wait3A_282 : memref<4x128xi32, #tpu.memory_space<hbm>>) dst(%arg5 : memref<4x128xi32, #tpu.memory_space<vmem>>)
        tpu.yield
      }) : () -> ()
      %dma_start3A = arith.constant 0 : i32
      %dma_start3A_91 = arith.constant 0 : i32
      %dma_start3A_92 = arith.constant 0 : i32
      %dma_start3A_93 = tpu.memref_slice %arg7[%dma_start3A_91, %dma_start3A_92] : memref<512x32xf32, #tpu.memory_space<vmem>> -> memref<128x32xf32, #tpu.memory_space<vmem>>
      %dma_start3A_94 = arith.constant 0 : i32
      %dma_start3A_95 = tpu.memref_slice %arg5[%dma_start3A, %dma_start3A_94] : memref<4x128xi32, #tpu.memory_space<vmem>> -> memref<1x128xi32, #tpu.memory_space<vmem>>
      %dma_start3A_96 = tpu.memref_squeeze %dma_start3A_95 : memref<1x128xi32, #tpu.memory_space<vmem>> -> memref<128xi32, #tpu.memory_space<vmem>>
      %dma_start3A_97 = arith.constant 0 : i32
      %dma_start3A_98 = arith.constant 0 : i32
      %dma_start3A_99 = tpu.memref_slice %arg3[%dma_start3A_97, %dma_start3A_98] : memref<1000000x32xf32, #tpu.memory_space<hbm>> -> memref<1000000x32xf32, #tpu.memory_space<hbm>>
      tpu.enqueue_indirect_dma source(%dma_start3A_99 : memref<1000000x32xf32, #tpu.memory_space<hbm>>) target(%dma_start3A_93 : memref<128x32xf32, #tpu.memory_space<vmem>>) offsets(%dma_start3A_96 : memref<128xi32, #tpu.memory_space<vmem>>) semaphore(%arg11 : memref<!tpu.dma_semaphore, #tpu.memory_space<semaphore_mem>>)
      %dma_start3A_100 = arith.constant 1 : i32
      %dma_start3A_101 = arith.constant 128 : i32
      %dma_start3A_102 = arith.constant 0 : i32
      %dma_start3A_103 = tpu.memref_slice %arg7[%dma_start3A_101, %dma_start3A_102] : memref<512x32xf32, #tpu.memory_space<vmem>> -> memref<128x32xf32, #tpu.memory_space<vmem>>
      %dma_start3A_104 = arith.constant 0 : i32
      %dma_start3A_105 = tpu.memref_slice %arg5[%dma_start3A_100, %dma_start3A_104] : memref<4x128xi32, #tpu.memory_space<vmem>> -> memref<1x128xi32, #tpu.memory_space<vmem>>
      %dma_start3A_106 = tpu.memref_squeeze %dma_start3A_105 : memref<1x128xi32, #tpu.memory_space<vmem>> -> memref<128xi32, #tpu.memory_space<vmem>>
      %dma_start3A_107 = arith.constant 0 : i32
      %dma_start3A_108 = arith.constant 0 : i32
      %dma_start3A_109 = tpu.memref_slice %arg3[%dma_start3A_107, %dma_start3A_108] : memref<1000000x32xf32, #tpu.memory_space<hbm>> -> memref<1000000x32xf32, #tpu.memory_space<hbm>>
      tpu.enqueue_indirect_dma source(%dma_start3A_109 : memref<1000000x32xf32, #tpu.memory_space<hbm>>) target(%dma_start3A_103 : memref<128x32xf32, #tpu.memory_space<vmem>>) offsets(%dma_start3A_106 : memref<128xi32, #tpu.memory_space<vmem>>) semaphore(%arg11 : memref<!tpu.dma_semaphore, #tpu.memory_space<semaphore_mem>>)
      %dma_start3A_110 = arith.constant 2 : i32
      %dma_start3A_111 = arith.constant 256 : i32
      %dma_start3A_112 = arith.constant 0 : i32
      %dma_start3A_113 = tpu.memref_slice %arg7[%dma_start3A_111, %dma_start3A_112] : memref<512x32xf32, #tpu.memory_space<vmem>> -> memref<128x32xf32, #tpu.memory_space<vmem>>
      %dma_start3A_114 = arith.constant 0 : i32
      %dma_start3A_115 = tpu.memref_slice %arg5[%dma_start3A_110, %dma_start3A_114] : memref<4x128xi32, #tpu.memory_space<vmem>> -> memref<1x128xi32, #tpu.memory_space<vmem>>
      %dma_start3A_116 = tpu.memref_squeeze %dma_start3A_115 : memref<1x128xi32, #tpu.memory_space<vmem>> -> memref<128xi32, #tpu.memory_space<vmem>>
      %dma_start3A_117 = arith.constant 0 : i32
      %dma_start3A_118 = arith.constant 0 : i32
      %dma_start3A_119 = tpu.memref_slice %arg3[%dma_start3A_117, %dma_start3A_118] : memref<1000000x32xf32, #tpu.memory_space<hbm>> -> memref<1000000x32xf32, #tpu.memory_space<hbm>>
      tpu.enqueue_indirect_dma source(%dma_start3A_119 : memref<1000000x32xf32, #tpu.memory_space<hbm>>) target(%dma_start3A_113 : memref<128x32xf32, #tpu.memory_space<vmem>>) offsets(%dma_start3A_116 : memref<128xi32, #tpu.memory_space<vmem>>) semaphore(%arg11 : memref<!tpu.dma_semaphore, #tpu.memory_space<semaphore_mem>>)
      %dma_start3A_120 = arith.constant 3 : i32
      %dma_start3A_121 = arith.constant 384 : i32
      %dma_start3A_122 = arith.constant 0 : i32
      %dma_start3A_123 = tpu.memref_slice %arg7[%dma_start3A_121, %dma_start3A_122] : memref<512x32xf32, #tpu.memory_space<vmem>> -> memref<128x32xf32, #tpu.memory_space<vmem>>
      %dma_start3A_124 = arith.constant 0 : i32
      %dma_start3A_125 = tpu.memref_slice %arg5[%dma_start3A_120, %dma_start3A_124] : memref<4x128xi32, #tpu.memory_space<vmem>> -> memref<1x128xi32, #tpu.memory_space<vmem>>
      %dma_start3A_126 = tpu.memref_squeeze %dma_start3A_125 : memref<1x128xi32, #tpu.memory_space<vmem>> -> memref<128xi32, #tpu.memory_space<vmem>>
      %dma_start3A_127 = arith.constant 0 : i32
      %dma_start3A_128 = arith.constant 0 : i32
      %dma_start3A_129 = tpu.memref_slice %arg3[%dma_start3A_127, %dma_start3A_128] : memref<1000000x32xf32, #tpu.memory_space<hbm>> -> memref<1000000x32xf32, #tpu.memory_space<hbm>>
      tpu.enqueue_indirect_dma source(%dma_start3A_129 : memref<1000000x32xf32, #tpu.memory_space<hbm>>) target(%dma_start3A_123 : memref<128x32xf32, #tpu.memory_space<vmem>>) offsets(%dma_start3A_126 : memref<128xi32, #tpu.memory_space<vmem>>) semaphore(%arg11 : memref<!tpu.dma_semaphore, #tpu.memory_space<semaphore_mem>>)
      %mul3A_130 = arith.constant 4 : i32
      %mul3A_131 = arith.muli %add3A, %mul3A_130 : i32
      "tpu.region"() ({
        %run_scoped3A = tpu.sem_alloc : memref<!tpu.dma_semaphore, #tpu.memory_space<semaphore_mem>>
        %dma_start3A_271 = arith.constant 0 : i32
        %dma_start3A_272 = tpu.memref_slice %arg2[%add3A_88, %mul3A_131, %dma_start3A_271] : memref<50x128x128xi32, #tpu.memory_space<hbm>> -> memref<1x4x128xi32, #tpu.memory_space<hbm>>
        %dma_start3A_273 = tpu.memref_squeeze %dma_start3A_272 : memref<1x4x128xi32, #tpu.memory_space<hbm>> -> memref<4x128xi32, #tpu.memory_space<hbm>>
        %dma_start3A_274 = arith.constant 0 : i32
        %dma_start3A_275 = tpu.memref_slice %arg2[%add3A_88, %mul3A_131, %dma_start3A_274] : memref<50x128x128xi32, #tpu.memory_space<hbm>> -> memref<1x4x128xi32, #tpu.memory_space<hbm>>
        %dma_start3A_276 = tpu.memref_squeeze %dma_start3A_275 : memref<1x4x128xi32, #tpu.memory_space<hbm>> -> memref<4x128xi32, #tpu.memory_space<hbm>>
        tpu.enqueue_dma source(%dma_start3A_276 : memref<4x128xi32, #tpu.memory_space<hbm>>) target(%arg6 : memref<4x128xi32, #tpu.memory_space<vmem>>) target_semaphore(%run_scoped3A : memref<!tpu.dma_semaphore, #tpu.memory_space<semaphore_mem>>)
        %dma_wait3A_277 = arith.constant 0 : i32
        %dma_wait3A_278 = tpu.memref_slice %arg2[%add3A_88, %mul3A_131, %dma_wait3A_277] : memref<50x128x128xi32, #tpu.memory_space<hbm>> -> memref<1x4x128xi32, #tpu.memory_space<hbm>>
        %dma_wait3A_279 = tpu.memref_squeeze %dma_wait3A_278 : memref<1x4x128xi32, #tpu.memory_space<hbm>> -> memref<4x128xi32, #tpu.memory_space<hbm>>
        %dma_wait3A_280 = arith.constant 0 : i32
        %dma_wait3A_281 = tpu.memref_slice %arg2[%add3A_88, %mul3A_131, %dma_wait3A_280] : memref<50x128x128xi32, #tpu.memory_space<hbm>> -> memref<1x4x128xi32, #tpu.memory_space<hbm>>
        %dma_wait3A_282 = tpu.memref_squeeze %dma_wait3A_281 : memref<1x4x128xi32, #tpu.memory_space<hbm>> -> memref<4x128xi32, #tpu.memory_space<hbm>>
        tpu.wait_dma2 semaphore(%run_scoped3A : memref<!tpu.dma_semaphore, #tpu.memory_space<semaphore_mem>>) src(%dma_wait3A_282 : memref<4x128xi32, #tpu.memory_space<hbm>>) dst(%arg6 : memref<4x128xi32, #tpu.memory_space<vmem>>)
        tpu.yield
      }) : () -> ()
      %dma_start3A_132 = arith.constant 0 : i32
      %dma_start3A_133 = arith.constant 0 : i32
      %dma_start3A_134 = arith.constant 0 : i32
      %dma_start3A_135 = tpu.memref_slice %arg8[%dma_start3A_133, %dma_start3A_134] : memref<512x32xf32, #tpu.memory_space<vmem>> -> memref<128x32xf32, #tpu.memory_space<vmem>>
      %dma_start3A_136 = arith.constant 0 : i32
      %dma_start3A_137 = tpu.memref_slice %arg6[%dma_start3A_132, %dma_start3A_136] : memref<4x128xi32, #tpu.memory_space<vmem>> -> memref<1x128xi32, #tpu.memory_space<vmem>>
      %dma_start3A_138 = tpu.memref_squeeze %dma_start3A_137 : memref<1x128xi32, #tpu.memory_space<vmem>> -> memref<128xi32, #tpu.memory_space<vmem>>
      %dma_start3A_139 = arith.constant 0 : i32
      %dma_start3A_140 = arith.constant 0 : i32
      %dma_start3A_141 = tpu.memref_slice %arg3[%dma_start3A_139, %dma_start3A_140] : memref<1000000x32xf32, #tpu.memory_space<hbm>> -> memref<1000000x32xf32, #tpu.memory_space<hbm>>
      tpu.enqueue_indirect_dma source(%dma_start3A_141 : memref<1000000x32xf32, #tpu.memory_space<hbm>>) target(%dma_start3A_135 : memref<128x32xf32, #tpu.memory_space<vmem>>) offsets(%dma_start3A_138 : memref<128xi32, #tpu.memory_space<vmem>>) semaphore(%arg12 : memref<!tpu.dma_semaphore, #tpu.memory_space<semaphore_mem>>)
      %dma_start3A_142 = arith.constant 1 : i32
      %dma_start3A_143 = arith.constant 128 : i32
      %dma_start3A_144 = arith.constant 0 : i32
      %dma_start3A_145 = tpu.memref_slice %arg8[%dma_start3A_143, %dma_start3A_144] : memref<512x32xf32, #tpu.memory_space<vmem>> -> memref<128x32xf32, #tpu.memory_space<vmem>>
      %dma_start3A_146 = arith.constant 0 : i32
      %dma_start3A_147 = tpu.memref_slice %arg6[%dma_start3A_142, %dma_start3A_146] : memref<4x128xi32, #tpu.memory_space<vmem>> -> memref<1x128xi32, #tpu.memory_space<vmem>>
      %dma_start3A_148 = tpu.memref_squeeze %dma_start3A_147 : memref<1x128xi32, #tpu.memory_space<vmem>> -> memref<128xi32, #tpu.memory_space<vmem>>
      %dma_start3A_149 = arith.constant 0 : i32
      %dma_start3A_150 = arith.constant 0 : i32
      %dma_start3A_151 = tpu.memref_slice %arg3[%dma_start3A_149, %dma_start3A_150] : memref<1000000x32xf32, #tpu.memory_space<hbm>> -> memref<1000000x32xf32, #tpu.memory_space<hbm>>
      tpu.enqueue_indirect_dma source(%dma_start3A_151 : memref<1000000x32xf32, #tpu.memory_space<hbm>>) target(%dma_start3A_145 : memref<128x32xf32, #tpu.memory_space<vmem>>) offsets(%dma_start3A_148 : memref<128xi32, #tpu.memory_space<vmem>>) semaphore(%arg12 : memref<!tpu.dma_semaphore, #tpu.memory_space<semaphore_mem>>)
      %dma_start3A_152 = arith.constant 2 : i32
      %dma_start3A_153 = arith.constant 256 : i32
      %dma_start3A_154 = arith.constant 0 : i32
      %dma_start3A_155 = tpu.memref_slice %arg8[%dma_start3A_153, %dma_start3A_154] : memref<512x32xf32, #tpu.memory_space<vmem>> -> memref<128x32xf32, #tpu.memory_space<vmem>>
      %dma_start3A_156 = arith.constant 0 : i32
      %dma_start3A_157 = tpu.memref_slice %arg6[%dma_start3A_152, %dma_start3A_156] : memref<4x128xi32, #tpu.memory_space<vmem>> -> memref<1x128xi32, #tpu.memory_space<vmem>>
      %dma_start3A_158 = tpu.memref_squeeze %dma_start3A_157 : memref<1x128xi32, #tpu.memory_space<vmem>> -> memref<128xi32, #tpu.memory_space<vmem>>
      %dma_start3A_159 = arith.constant 0 : i32
      %dma_start3A_160 = arith.constant 0 : i32
      %dma_start3A_161 = tpu.memref_slice %arg3[%dma_start3A_159, %dma_start3A_160] : memref<1000000x32xf32, #tpu.memory_space<hbm>> -> memref<1000000x32xf32, #tpu.memory_space<hbm>>
      tpu.enqueue_indirect_dma source(%dma_start3A_161 : memref<1000000x32xf32, #tpu.memory_space<hbm>>) target(%dma_start3A_155 : memref<128x32xf32, #tpu.memory_space<vmem>>) offsets(%dma_start3A_158 : memref<128xi32, #tpu.memory_space<vmem>>) semaphore(%arg12 : memref<!tpu.dma_semaphore, #tpu.memory_space<semaphore_mem>>)
      %dma_start3A_162 = arith.constant 3 : i32
      %dma_start3A_163 = arith.constant 384 : i32
      %dma_start3A_164 = arith.constant 0 : i32
      %dma_start3A_165 = tpu.memref_slice %arg8[%dma_start3A_163, %dma_start3A_164] : memref<512x32xf32, #tpu.memory_space<vmem>> -> memref<128x32xf32, #tpu.memory_space<vmem>>
      %dma_start3A_166 = arith.constant 0 : i32
      %dma_start3A_167 = tpu.memref_slice %arg6[%dma_start3A_162, %dma_start3A_166] : memref<4x128xi32, #tpu.memory_space<vmem>> -> memref<1x128xi32, #tpu.memory_space<vmem>>
      %dma_start3A_168 = tpu.memref_squeeze %dma_start3A_167 : memref<1x128xi32, #tpu.memory_space<vmem>> -> memref<128xi32, #tpu.memory_space<vmem>>
      %dma_start3A_169 = arith.constant 0 : i32
      %dma_start3A_170 = arith.constant 0 : i32
      %dma_start3A_171 = tpu.memref_slice %arg3[%dma_start3A_169, %dma_start3A_170] : memref<1000000x32xf32, #tpu.memory_space<hbm>> -> memref<1000000x32xf32, #tpu.memory_space<hbm>>
      tpu.enqueue_indirect_dma source(%dma_start3A_171 : memref<1000000x32xf32, #tpu.memory_space<hbm>>) target(%dma_start3A_165 : memref<128x32xf32, #tpu.memory_space<vmem>>) offsets(%dma_start3A_168 : memref<128xi32, #tpu.memory_space<vmem>>) semaphore(%arg12 : memref<!tpu.dma_semaphore, #tpu.memory_space<semaphore_mem>>)
      %gt3A = arith.constant 0 : i32
      %gt3A_172 = arith.cmpi sgt, %scan3A_84, %gt3A : i32
      %convert_element_type3A = arith.extui %gt3A_172 : i1 to i32
      %cond3A = arith.constant 0 : i32
      %cond3A_173 = arith.cmpi ne, %convert_element_type3A, %cond3A : i32
      scf.if %cond3A_173 {
        %sub3A = arith.constant 2 : i32
        %sub3A_271 = arith.subi %mul3A_86, %sub3A : i32
        %dma_wait3A_272 = arith.constant 0 : i32
        %dma_wait3A_273 = tpu.memref_slice %arg4[%sub3A_271, %dma_wait3A_272, %mul3A_2] : memref<50x32x16384xf32, #tpu.memory_space<hbm>> -> memref<1x32x512xf32, #tpu.memory_space<hbm>>
        %dma_wait3A_274 = tpu.memref_squeeze %dma_wait3A_273 : memref<1x32x512xf32, #tpu.memory_space<hbm>> -> memref<32x512xf32, #tpu.memory_space<hbm>>
        %dma_wait3A_275 = arith.constant 0 : i32
        %dma_wait3A_276 = tpu.memref_slice %arg4[%sub3A_271, %dma_wait3A_275, %mul3A_2] : memref<50x32x16384xf32, #tpu.memory_space<hbm>> -> memref<1x32x512xf32, #tpu.memory_space<hbm>>
        %dma_wait3A_277 = tpu.memref_squeeze %dma_wait3A_276 : memref<1x32x512xf32, #tpu.memory_space<hbm>> -> memref<32x512xf32, #tpu.memory_space<hbm>>
        tpu.wait_dma2 semaphore(%arg13 : memref<!tpu.dma_semaphore, #tpu.memory_space<semaphore_mem>>) src(%arg9 : memref<32x512xf32, #tpu.memory_space<vmem>>) dst(%dma_wait3A_277 : memref<32x512xf32, #tpu.memory_space<hbm>>)
        %sub3A_278 = arith.constant 2 : i32
        %sub3A_279 = arith.subi %add3A_88, %sub3A_278 : i32
        %dma_wait3A_280 = arith.constant 0 : i32
        %dma_wait3A_281 = tpu.memref_slice %arg4[%sub3A_279, %dma_wait3A_280, %mul3A_2] : memref<50x32x16384xf32, #tpu.memory_space<hbm>> -> memref<1x32x512xf32, #tpu.memory_space<hbm>>
        %dma_wait3A_282 = tpu.memref_squeeze %dma_wait3A_281 : memref<1x32x512xf32, #tpu.memory_space<hbm>> -> memref<32x512xf32, #tpu.memory_space<hbm>>
        %dma_wait3A_283 = arith.constant 0 : i32
        %dma_wait3A_284 = tpu.memref_slice %arg4[%sub3A_279, %dma_wait3A_283, %mul3A_2] : memref<50x32x16384xf32, #tpu.memory_space<hbm>> -> memref<1x32x512xf32, #tpu.memory_space<hbm>>
        %dma_wait3A_285 = tpu.memref_squeeze %dma_wait3A_284 : memref<1x32x512xf32, #tpu.memory_space<hbm>> -> memref<32x512xf32, #tpu.memory_space<hbm>>
        tpu.wait_dma2 semaphore(%arg14 : memref<!tpu.dma_semaphore, #tpu.memory_space<semaphore_mem>>) src(%arg10 : memref<32x512xf32, #tpu.memory_space<vmem>>) dst(%dma_wait3A_285 : memref<32x512xf32, #tpu.memory_space<hbm>>)
      } else {
      }
      %dma_wait3A_174 = arith.constant 0 : i32
      %dma_wait3A_175 = arith.constant 0 : i32
      %dma_wait3A_176 = arith.constant 0 : i32
      %dma_wait3A_177 = tpu.memref_slice %arg7[%dma_wait3A_175, %dma_wait3A_176] : memref<512x32xf32, #tpu.memory_space<vmem>> -> memref<128x32xf32, #tpu.memory_space<vmem>>
      %dma_wait3A_178 = arith.constant 0 : i32
      %dma_wait3A_179 = tpu.memref_slice %arg5[%dma_wait3A_174, %dma_wait3A_178] : memref<4x128xi32, #tpu.memory_space<vmem>> -> memref<1x128xi32, #tpu.memory_space<vmem>>
      %dma_wait3A_180 = tpu.memref_squeeze %dma_wait3A_179 : memref<1x128xi32, #tpu.memory_space<vmem>> -> memref<128xi32, #tpu.memory_space<vmem>>
      %dma_wait3A_181 = arith.constant 0 : i32
      %dma_wait3A_182 = arith.constant 0 : i32
      %dma_wait3A_183 = tpu.memref_slice %arg3[%dma_wait3A_181, %dma_wait3A_182] : memref<1000000x32xf32, #tpu.memory_space<hbm>> -> memref<1000000x32xf32, #tpu.memory_space<hbm>>
      tpu.wait_indirect_dma semaphore(%arg11 : memref<!tpu.dma_semaphore, #tpu.memory_space<semaphore_mem>>) src(%dma_wait3A_183 : memref<1000000x32xf32, #tpu.memory_space<hbm>>) dst(%dma_wait3A_177 : memref<128x32xf32, #tpu.memory_space<vmem>>)
      %dma_wait3A_184 = arith.constant 1 : i32
      %dma_wait3A_185 = arith.constant 128 : i32
      %dma_wait3A_186 = arith.constant 0 : i32
      %dma_wait3A_187 = tpu.memref_slice %arg7[%dma_wait3A_185, %dma_wait3A_186] : memref<512x32xf32, #tpu.memory_space<vmem>> -> memref<128x32xf32, #tpu.memory_space<vmem>>
      %dma_wait3A_188 = arith.constant 0 : i32
      %dma_wait3A_189 = tpu.memref_slice %arg5[%dma_wait3A_184, %dma_wait3A_188] : memref<4x128xi32, #tpu.memory_space<vmem>> -> memref<1x128xi32, #tpu.memory_space<vmem>>
      %dma_wait3A_190 = tpu.memref_squeeze %dma_wait3A_189 : memref<1x128xi32, #tpu.memory_space<vmem>> -> memref<128xi32, #tpu.memory_space<vmem>>
      %dma_wait3A_191 = arith.constant 0 : i32
      %dma_wait3A_192 = arith.constant 0 : i32
      %dma_wait3A_193 = tpu.memref_slice %arg3[%dma_wait3A_191, %dma_wait3A_192] : memref<1000000x32xf32, #tpu.memory_space<hbm>> -> memref<1000000x32xf32, #tpu.memory_space<hbm>>
      tpu.wait_indirect_dma semaphore(%arg11 : memref<!tpu.dma_semaphore, #tpu.memory_space<semaphore_mem>>) src(%dma_wait3A_193 : memref<1000000x32xf32, #tpu.memory_space<hbm>>) dst(%dma_wait3A_187 : memref<128x32xf32, #tpu.memory_space<vmem>>)
      %dma_wait3A_194 = arith.constant 2 : i32
      %dma_wait3A_195 = arith.constant 256 : i32
      %dma_wait3A_196 = arith.constant 0 : i32
      %dma_wait3A_197 = tpu.memref_slice %arg7[%dma_wait3A_195, %dma_wait3A_196] : memref<512x32xf32, #tpu.memory_space<vmem>> -> memref<128x32xf32, #tpu.memory_space<vmem>>
      %dma_wait3A_198 = arith.constant 0 : i32
      %dma_wait3A_199 = tpu.memref_slice %arg5[%dma_wait3A_194, %dma_wait3A_198] : memref<4x128xi32, #tpu.memory_space<vmem>> -> memref<1x128xi32, #tpu.memory_space<vmem>>
      %dma_wait3A_200 = tpu.memref_squeeze %dma_wait3A_199 : memref<1x128xi32, #tpu.memory_space<vmem>> -> memref<128xi32, #tpu.memory_space<vmem>>
      %dma_wait3A_201 = arith.constant 0 : i32
      %dma_wait3A_202 = arith.constant 0 : i32
      %dma_wait3A_203 = tpu.memref_slice %arg3[%dma_wait3A_201, %dma_wait3A_202] : memref<1000000x32xf32, #tpu.memory_space<hbm>> -> memref<1000000x32xf32, #tpu.memory_space<hbm>>
      tpu.wait_indirect_dma semaphore(%arg11 : memref<!tpu.dma_semaphore, #tpu.memory_space<semaphore_mem>>) src(%dma_wait3A_203 : memref<1000000x32xf32, #tpu.memory_space<hbm>>) dst(%dma_wait3A_197 : memref<128x32xf32, #tpu.memory_space<vmem>>)
      %dma_wait3A_204 = arith.constant 3 : i32
      %dma_wait3A_205 = arith.constant 384 : i32
      %dma_wait3A_206 = arith.constant 0 : i32
      %dma_wait3A_207 = tpu.memref_slice %arg7[%dma_wait3A_205, %dma_wait3A_206] : memref<512x32xf32, #tpu.memory_space<vmem>> -> memref<128x32xf32, #tpu.memory_space<vmem>>
      %dma_wait3A_208 = arith.constant 0 : i32
      %dma_wait3A_209 = tpu.memref_slice %arg5[%dma_wait3A_204, %dma_wait3A_208] : memref<4x128xi32, #tpu.memory_space<vmem>> -> memref<1x128xi32, #tpu.memory_space<vmem>>
      %dma_wait3A_210 = tpu.memref_squeeze %dma_wait3A_209 : memref<1x128xi32, #tpu.memory_space<vmem>> -> memref<128xi32, #tpu.memory_space<vmem>>
      %dma_wait3A_211 = arith.constant 0 : i32
      %dma_wait3A_212 = arith.constant 0 : i32
      %dma_wait3A_213 = tpu.memref_slice %arg3[%dma_wait3A_211, %dma_wait3A_212] : memref<1000000x32xf32, #tpu.memory_space<hbm>> -> memref<1000000x32xf32, #tpu.memory_space<hbm>>
      tpu.wait_indirect_dma semaphore(%arg11 : memref<!tpu.dma_semaphore, #tpu.memory_space<semaphore_mem>>) src(%dma_wait3A_213 : memref<1000000x32xf32, #tpu.memory_space<hbm>>) dst(%dma_wait3A_207 : memref<128x32xf32, #tpu.memory_space<vmem>>)
      %parallel_loop3A = arith.constant 0 : i32
      %parallel_loop3A_214 = arith.constant 32 : i32
      %parallel_loop3A_215 = arith.constant 1 : i32
      scf.for %parallel_loop3A_271 = %parallel_loop3A to %parallel_loop3A_214 step %parallel_loop3A_215  : i32 {
        %parallel_loop3A_272 = arith.constant 16 : i32
        %parallel_loop3A_273 = arith.muli %parallel_loop3A_271, %parallel_loop3A_272 : i32
        %parallel_loop3A_274 = vector.broadcast %parallel_loop3A_273 : i32 to vector<16xi32>
        %parallel_loop3A_275 = arith.addi %iota3A, %parallel_loop3A_274 : vector<16xi32>
        %parallel_loop3A_276 = tpu.vector_load_idx %arg7[%parallel_loop3A_275, %broadcast_in_dim3A_3] : memref<512x32xf32, #tpu.memory_space<vmem>>[vector<16xi32>, vector<16xi32>], vector<16xf32>,
        %parallel_loop3A_277 = tpu.vector_load_idx %arg7[%parallel_loop3A_275, %broadcast_in_dim3A_5] : memref<512x32xf32, #tpu.memory_space<vmem>>[vector<16xi32>, vector<16xi32>], vector<16xf32>,
        %parallel_loop3A_278 = tpu.vector_load_idx %arg7[%parallel_loop3A_275, %broadcast_in_dim3A_7] : memref<512x32xf32, #tpu.memory_space<vmem>>[vector<16xi32>, vector<16xi32>], vector<16xf32>,
        %parallel_loop3A_279 = tpu.vector_load_idx %arg7[%parallel_loop3A_275, %broadcast_in_dim3A_9] : memref<512x32xf32, #tpu.memory_space<vmem>>[vector<16xi32>, vector<16xi32>], vector<16xf32>,
        %parallel_loop3A_280 = tpu.vector_load_idx %arg7[%parallel_loop3A_275, %broadcast_in_dim3A_11] : memref<512x32xf32, #tpu.memory_space<vmem>>[vector<16xi32>, vector<16xi32>], vector<16xf32>,
        %parallel_loop3A_281 = tpu.vector_load_idx %arg7[%parallel_loop3A_275, %broadcast_in_dim3A_13] : memref<512x32xf32, #tpu.memory_space<vmem>>[vector<16xi32>, vector<16xi32>], vector<16xf32>,
        %parallel_loop3A_282 = tpu.vector_load_idx %arg7[%parallel_loop3A_275, %broadcast_in_dim3A_15] : memref<512x32xf32, #tpu.memory_space<vmem>>[vector<16xi32>, vector<16xi32>], vector<16xf32>,
        %parallel_loop3A_283 = tpu.vector_load_idx %arg7[%parallel_loop3A_275, %broadcast_in_dim3A_17] : memref<512x32xf32, #tpu.memory_space<vmem>>[vector<16xi32>, vector<16xi32>], vector<16xf32>,
        %parallel_loop3A_284 = tpu.vector_load_idx %arg7[%parallel_loop3A_275, %broadcast_in_dim3A_19] : memref<512x32xf32, #tpu.memory_space<vmem>>[vector<16xi32>, vector<16xi32>], vector<16xf32>,
        %parallel_loop3A_285 = tpu.vector_load_idx %arg7[%parallel_loop3A_275, %broadcast_in_dim3A_21] : memref<512x32xf32, #tpu.memory_space<vmem>>[vector<16xi32>, vector<16xi32>], vector<16xf32>,
        %parallel_loop3A_286 = tpu.vector_load_idx %arg7[%parallel_loop3A_275, %broadcast_in_dim3A_23] : memref<512x32xf32, #tpu.memory_space<vmem>>[vector<16xi32>, vector<16xi32>], vector<16xf32>,
        %parallel_loop3A_287 = tpu.vector_load_idx %arg7[%parallel_loop3A_275, %broadcast_in_dim3A_25] : memref<512x32xf32, #tpu.memory_space<vmem>>[vector<16xi32>, vector<16xi32>], vector<16xf32>,
        %parallel_loop3A_288 = tpu.vector_load_idx %arg7[%parallel_loop3A_275, %broadcast_in_dim3A_27] : memref<512x32xf32, #tpu.memory_space<vmem>>[vector<16xi32>, vector<16xi32>], vector<16xf32>,
        %parallel_loop3A_289 = tpu.vector_load_idx %arg7[%parallel_loop3A_275, %broadcast_in_dim3A_29] : memref<512x32xf32, #tpu.memory_space<vmem>>[vector<16xi32>, vector<16xi32>], vector<16xf32>,
        %parallel_loop3A_290 = tpu.vector_load_idx %arg7[%parallel_loop3A_275, %broadcast_in_dim3A_31] : memref<512x32xf32, #tpu.memory_space<vmem>>[vector<16xi32>, vector<16xi32>], vector<16xf32>,
        %parallel_loop3A_291 = tpu.vector_load_idx %arg7[%parallel_loop3A_275, %broadcast_in_dim3A_33] : memref<512x32xf32, #tpu.memory_space<vmem>>[vector<16xi32>, vector<16xi32>], vector<16xf32>,
        %parallel_loop3A_292 = tpu.vector_load_idx %arg7[%parallel_loop3A_275, %broadcast_in_dim3A_35] : memref<512x32xf32, #tpu.memory_space<vmem>>[vector<16xi32>, vector<16xi32>], vector<16xf32>,
        %parallel_loop3A_293 = tpu.vector_load_idx %arg7[%parallel_loop3A_275, %broadcast_in_dim3A_37] : memref<512x32xf32, #tpu.memory_space<vmem>>[vector<16xi32>, vector<16xi32>], vector<16xf32>,
        %parallel_loop3A_294 = tpu.vector_load_idx %arg7[%parallel_loop3A_275, %broadcast_in_dim3A_39] : memref<512x32xf32, #tpu.memory_space<vmem>>[vector<16xi32>, vector<16xi32>], vector<16xf32>,
        %parallel_loop3A_295 = tpu.vector_load_idx %arg7[%parallel_loop3A_275, %broadcast_in_dim3A_41] : memref<512x32xf32, #tpu.memory_space<vmem>>[vector<16xi32>, vector<16xi32>], vector<16xf32>,
        %parallel_loop3A_296 = tpu.vector_load_idx %arg7[%parallel_loop3A_275, %broadcast_in_dim3A_43] : memref<512x32xf32, #tpu.memory_space<vmem>>[vector<16xi32>, vector<16xi32>], vector<16xf32>,
        %parallel_loop3A_297 = tpu.vector_load_idx %arg7[%parallel_loop3A_275, %broadcast_in_dim3A_45] : memref<512x32xf32, #tpu.memory_space<vmem>>[vector<16xi32>, vector<16xi32>], vector<16xf32>,
        %parallel_loop3A_298 = tpu.vector_load_idx %arg7[%parallel_loop3A_275, %broadcast_in_dim3A_47] : memref<512x32xf32, #tpu.memory_space<vmem>>[vector<16xi32>, vector<16xi32>], vector<16xf32>,
        %parallel_loop3A_299 = tpu.vector_load_idx %arg7[%parallel_loop3A_275, %broadcast_in_dim3A_49] : memref<512x32xf32, #tpu.memory_space<vmem>>[vector<16xi32>, vector<16xi32>], vector<16xf32>,
        %parallel_loop3A_300 = tpu.vector_load_idx %arg7[%parallel_loop3A_275, %broadcast_in_dim3A_51] : memref<512x32xf32, #tpu.memory_space<vmem>>[vector<16xi32>, vector<16xi32>], vector<16xf32>,
        %parallel_loop3A_301 = tpu.vector_load_idx %arg7[%parallel_loop3A_275, %broadcast_in_dim3A_53] : memref<512x32xf32, #tpu.memory_space<vmem>>[vector<16xi32>, vector<16xi32>], vector<16xf32>,
        %parallel_loop3A_302 = tpu.vector_load_idx %arg7[%parallel_loop3A_275, %broadcast_in_dim3A_55] : memref<512x32xf32, #tpu.memory_space<vmem>>[vector<16xi32>, vector<16xi32>], vector<16xf32>,
        %parallel_loop3A_303 = tpu.vector_load_idx %arg7[%parallel_loop3A_275, %broadcast_in_dim3A_57] : memref<512x32xf32, #tpu.memory_space<vmem>>[vector<16xi32>, vector<16xi32>], vector<16xf32>,
        %parallel_loop3A_304 = tpu.vector_load_idx %arg7[%parallel_loop3A_275, %broadcast_in_dim3A_59] : memref<512x32xf32, #tpu.memory_space<vmem>>[vector<16xi32>, vector<16xi32>], vector<16xf32>,
        %parallel_loop3A_305 = tpu.vector_load_idx %arg7[%parallel_loop3A_275, %broadcast_in_dim3A_61] : memref<512x32xf32, #tpu.memory_space<vmem>>[vector<16xi32>, vector<16xi32>], vector<16xf32>,
        %parallel_loop3A_306 = tpu.vector_load_idx %arg7[%parallel_loop3A_275, %broadcast_in_dim3A_63] : memref<512x32xf32, #tpu.memory_space<vmem>>[vector<16xi32>, vector<16xi32>], vector<16xf32>,
        %parallel_loop3A_307 = tpu.vector_load_idx %arg7[%parallel_loop3A_275, %broadcast_in_dim3A_65] : memref<512x32xf32, #tpu.memory_space<vmem>>[vector<16xi32>, vector<16xi32>], vector<16xf32>,
        %parallel_loop3A_308 = arith.constant 16 : i32
        %parallel_loop3A_309 = arith.muli %parallel_loop3A_271, %parallel_loop3A_308 : i32
        %parallel_loop3A_310 = arith.constant 0 : i32
        %parallel_loop3A_311 = arith.index_cast %parallel_loop3A_310 : i32 to index
        %parallel_loop3A_312 = arith.index_cast %parallel_loop3A_309 : i32 to index
        %parallel_loop3A_313 = tpu.vector_load %arg9[%parallel_loop3A_311, %parallel_loop3A_312] {strides = array<i32>} : memref<32x512xf32, #tpu.memory_space<vmem>>, vector<16xf32>,
        tpu.vector_store %arg9[%parallel_loop3A_311, %parallel_loop3A_312], %parallel_loop3A_276 {strides = array<i32>} : memref<32x512xf32, #tpu.memory_space<vmem>>, vector<16xf32>,
        %parallel_loop3A_314 = arith.constant 16 : i32
        %parallel_loop3A_315 = arith.muli %parallel_loop3A_271, %parallel_loop3A_314 : i32
        %parallel_loop3A_316 = arith.constant 1 : i32
        %parallel_loop3A_317 = arith.index_cast %parallel_loop3A_316 : i32 to index
        %parallel_loop3A_318 = arith.index_cast %parallel_loop3A_315 : i32 to index
        %parallel_loop3A_319 = tpu.vector_load %arg9[%parallel_loop3A_317, %parallel_loop3A_318] {strides = array<i32>} : memref<32x512xf32, #tpu.memory_space<vmem>>, vector<16xf32>,
        tpu.vector_store %arg9[%parallel_loop3A_317, %parallel_loop3A_318], %parallel_loop3A_277 {strides = array<i32>} : memref<32x512xf32, #tpu.memory_space<vmem>>, vector<16xf32>,
        %parallel_loop3A_320 = arith.constant 16 : i32
        %parallel_loop3A_321 = arith.muli %parallel_loop3A_271, %parallel_loop3A_320 : i32
        %parallel_loop3A_322 = arith.constant 2 : i32
        %parallel_loop3A_323 = arith.index_cast %parallel_loop3A_322 : i32 to index
        %parallel_loop3A_324 = arith.index_cast %parallel_loop3A_321 : i32 to index
        %parallel_loop3A_325 = tpu.vector_load %arg9[%parallel_loop3A_323, %parallel_loop3A_324] {strides = array<i32>} : memref<32x512xf32, #tpu.memory_space<vmem>>, vector<16xf32>,
        tpu.vector_store %arg9[%parallel_loop3A_323, %parallel_loop3A_324], %parallel_loop3A_278 {strides = array<i32>} : memref<32x512xf32, #tpu.memory_space<vmem>>, vector<16xf32>,
        %parallel_loop3A_326 = arith.constant 16 : i32
        %parallel_loop3A_327 = arith.muli %parallel_loop3A_271, %parallel_loop3A_326 : i32
        %parallel_loop3A_328 = arith.constant 3 : i32
        %parallel_loop3A_329 = arith.index_cast %parallel_loop3A_328 : i32 to index
        %parallel_loop3A_330 = arith.index_cast %parallel_loop3A_327 : i32 to index
        %parallel_loop3A_331 = tpu.vector_load %arg9[%parallel_loop3A_329, %parallel_loop3A_330] {strides = array<i32>} : memref<32x512xf32, #tpu.memory_space<vmem>>, vector<16xf32>,
        tpu.vector_store %arg9[%parallel_loop3A_329, %parallel_loop3A_330], %parallel_loop3A_279 {strides = array<i32>} : memref<32x512xf32, #tpu.memory_space<vmem>>, vector<16xf32>,
        %parallel_loop3A_332 = arith.constant 16 : i32
        %parallel_loop3A_333 = arith.muli %parallel_loop3A_271, %parallel_loop3A_332 : i32
        %parallel_loop3A_334 = arith.constant 4 : i32
        %parallel_loop3A_335 = arith.index_cast %parallel_loop3A_334 : i32 to index
        %parallel_loop3A_336 = arith.index_cast %parallel_loop3A_333 : i32 to index
        %parallel_loop3A_337 = tpu.vector_load %arg9[%parallel_loop3A_335, %parallel_loop3A_336] {strides = array<i32>} : memref<32x512xf32, #tpu.memory_space<vmem>>, vector<16xf32>,
        tpu.vector_store %arg9[%parallel_loop3A_335, %parallel_loop3A_336], %parallel_loop3A_280 {strides = array<i32>} : memref<32x512xf32, #tpu.memory_space<vmem>>, vector<16xf32>,
        %parallel_loop3A_338 = arith.constant 16 : i32
        %parallel_loop3A_339 = arith.muli %parallel_loop3A_271, %parallel_loop3A_338 : i32
        %parallel_loop3A_340 = arith.constant 5 : i32
        %parallel_loop3A_341 = arith.index_cast %parallel_loop3A_340 : i32 to index
        %parallel_loop3A_342 = arith.index_cast %parallel_loop3A_339 : i32 to index
        %parallel_loop3A_343 = tpu.vector_load %arg9[%parallel_loop3A_341, %parallel_loop3A_342] {strides = array<i32>} : memref<32x512xf32, #tpu.memory_space<vmem>>, vector<16xf32>,
        tpu.vector_store %arg9[%parallel_loop3A_341, %parallel_loop3A_342], %parallel_loop3A_281 {strides = array<i32>} : memref<32x512xf32, #tpu.memory_space<vmem>>, vector<16xf32>,
        %parallel_loop3A_344 = arith.constant 16 : i32
        %parallel_loop3A_345 = arith.muli %parallel_loop3A_271, %parallel_loop3A_344 : i32
        %parallel_loop3A_346 = arith.constant 6 : i32
        %parallel_loop3A_347 = arith.index_cast %parallel_loop3A_346 : i32 to index
        %parallel_loop3A_348 = arith.index_cast %parallel_loop3A_345 : i32 to index
        %parallel_loop3A_349 = tpu.vector_load %arg9[%parallel_loop3A_347, %parallel_loop3A_348] {strides = array<i32>} : memref<32x512xf32, #tpu.memory_space<vmem>>, vector<16xf32>,
        tpu.vector_store %arg9[%parallel_loop3A_347, %parallel_loop3A_348], %parallel_loop3A_282 {strides = array<i32>} : memref<32x512xf32, #tpu.memory_space<vmem>>, vector<16xf32>,
        %parallel_loop3A_350 = arith.constant 16 : i32
        %parallel_loop3A_351 = arith.muli %parallel_loop3A_271, %parallel_loop3A_350 : i32
        %parallel_loop3A_352 = arith.constant 7 : i32
        %parallel_loop3A_353 = arith.index_cast %parallel_loop3A_352 : i32 to index
        %parallel_loop3A_354 = arith.index_cast %parallel_loop3A_351 : i32 to index
        %parallel_loop3A_355 = tpu.vector_load %arg9[%parallel_loop3A_353, %parallel_loop3A_354] {strides = array<i32>} : memref<32x512xf32, #tpu.memory_space<vmem>>, vector<16xf32>,
        tpu.vector_store %arg9[%parallel_loop3A_353, %parallel_loop3A_354], %parallel_loop3A_283 {strides = array<i32>} : memref<32x512xf32, #tpu.memory_space<vmem>>, vector<16xf32>,
        %parallel_loop3A_356 = arith.constant 16 : i32
        %parallel_loop3A_357 = arith.muli %parallel_loop3A_271, %parallel_loop3A_356 : i32
        %parallel_loop3A_358 = arith.constant 8 : i32
        %parallel_loop3A_359 = arith.index_cast %parallel_loop3A_358 : i32 to index
        %parallel_loop3A_360 = arith.index_cast %parallel_loop3A_357 : i32 to index
        %parallel_loop3A_361 = tpu.vector_load %arg9[%parallel_loop3A_359, %parallel_loop3A_360] {strides = array<i32>} : memref<32x512xf32, #tpu.memory_space<vmem>>, vector<16xf32>,
        tpu.vector_store %arg9[%parallel_loop3A_359, %parallel_loop3A_360], %parallel_loop3A_284 {strides = array<i32>} : memref<32x512xf32, #tpu.memory_space<vmem>>, vector<16xf32>,
        %parallel_loop3A_362 = arith.constant 16 : i32
        %parallel_loop3A_363 = arith.muli %parallel_loop3A_271, %parallel_loop3A_362 : i32
        %parallel_loop3A_364 = arith.constant 9 : i32
        %parallel_loop3A_365 = arith.index_cast %parallel_loop3A_364 : i32 to index
        %parallel_loop3A_366 = arith.index_cast %parallel_loop3A_363 : i32 to index
        %parallel_loop3A_367 = tpu.vector_load %arg9[%parallel_loop3A_365, %parallel_loop3A_366] {strides = array<i32>} : memref<32x512xf32, #tpu.memory_space<vmem>>, vector<16xf32>,
        tpu.vector_store %arg9[%parallel_loop3A_365, %parallel_loop3A_366], %parallel_loop3A_285 {strides = array<i32>} : memref<32x512xf32, #tpu.memory_space<vmem>>, vector<16xf32>,
        %parallel_loop3A_368 = arith.constant 16 : i32
        %parallel_loop3A_369 = arith.muli %parallel_loop3A_271, %parallel_loop3A_368 : i32
        %parallel_loop3A_370 = arith.constant 10 : i32
        %parallel_loop3A_371 = arith.index_cast %parallel_loop3A_370 : i32 to index
        %parallel_loop3A_372 = arith.index_cast %parallel_loop3A_369 : i32 to index
        %parallel_loop3A_373 = tpu.vector_load %arg9[%parallel_loop3A_371, %parallel_loop3A_372] {strides = array<i32>} : memref<32x512xf32, #tpu.memory_space<vmem>>, vector<16xf32>,
        tpu.vector_store %arg9[%parallel_loop3A_371, %parallel_loop3A_372], %parallel_loop3A_286 {strides = array<i32>} : memref<32x512xf32, #tpu.memory_space<vmem>>, vector<16xf32>,
        %parallel_loop3A_374 = arith.constant 16 : i32
        %parallel_loop3A_375 = arith.muli %parallel_loop3A_271, %parallel_loop3A_374 : i32
        %parallel_loop3A_376 = arith.constant 11 : i32
        %parallel_loop3A_377 = arith.index_cast %parallel_loop3A_376 : i32 to index
        %parallel_loop3A_378 = arith.index_cast %parallel_loop3A_375 : i32 to index
        %parallel_loop3A_379 = tpu.vector_load %arg9[%parallel_loop3A_377, %parallel_loop3A_378] {strides = array<i32>} : memref<32x512xf32, #tpu.memory_space<vmem>>, vector<16xf32>,
        tpu.vector_store %arg9[%parallel_loop3A_377, %parallel_loop3A_378], %parallel_loop3A_287 {strides = array<i32>} : memref<32x512xf32, #tpu.memory_space<vmem>>, vector<16xf32>,
        %parallel_loop3A_380 = arith.constant 16 : i32
        %parallel_loop3A_381 = arith.muli %parallel_loop3A_271, %parallel_loop3A_380 : i32
        %parallel_loop3A_382 = arith.constant 12 : i32
        %parallel_loop3A_383 = arith.index_cast %parallel_loop3A_382 : i32 to index
        %parallel_loop3A_384 = arith.index_cast %parallel_loop3A_381 : i32 to index
        %parallel_loop3A_385 = tpu.vector_load %arg9[%parallel_loop3A_383, %parallel_loop3A_384] {strides = array<i32>} : memref<32x512xf32, #tpu.memory_space<vmem>>, vector<16xf32>,
        tpu.vector_store %arg9[%parallel_loop3A_383, %parallel_loop3A_384], %parallel_loop3A_288 {strides = array<i32>} : memref<32x512xf32, #tpu.memory_space<vmem>>, vector<16xf32>,
        %parallel_loop3A_386 = arith.constant 16 : i32
        %parallel_loop3A_387 = arith.muli %parallel_loop3A_271, %parallel_loop3A_386 : i32
        %parallel_loop3A_388 = arith.constant 13 : i32
        %parallel_loop3A_389 = arith.index_cast %parallel_loop3A_388 : i32 to index
        %parallel_loop3A_390 = arith.index_cast %parallel_loop3A_387 : i32 to index
        %parallel_loop3A_391 = tpu.vector_load %arg9[%parallel_loop3A_389, %parallel_loop3A_390] {strides = array<i32>} : memref<32x512xf32, #tpu.memory_space<vmem>>, vector<16xf32>,
        tpu.vector_store %arg9[%parallel_loop3A_389, %parallel_loop3A_390], %parallel_loop3A_289 {strides = array<i32>} : memref<32x512xf32, #tpu.memory_space<vmem>>, vector<16xf32>,
        %parallel_loop3A_392 = arith.constant 16 : i32
        %parallel_loop3A_393 = arith.muli %parallel_loop3A_271, %parallel_loop3A_392 : i32
        %parallel_loop3A_394 = arith.constant 14 : i32
        %parallel_loop3A_395 = arith.index_cast %parallel_loop3A_394 : i32 to index
        %parallel_loop3A_396 = arith.index_cast %parallel_loop3A_393 : i32 to index
        %parallel_loop3A_397 = tpu.vector_load %arg9[%parallel_loop3A_395, %parallel_loop3A_396] {strides = array<i32>} : memref<32x512xf32, #tpu.memory_space<vmem>>, vector<16xf32>,
        tpu.vector_store %arg9[%parallel_loop3A_395, %parallel_loop3A_396], %parallel_loop3A_290 {strides = array<i32>} : memref<32x512xf32, #tpu.memory_space<vmem>>, vector<16xf32>,
        %parallel_loop3A_398 = arith.constant 16 : i32
        %parallel_loop3A_399 = arith.muli %parallel_loop3A_271, %parallel_loop3A_398 : i32
        %parallel_loop3A_400 = arith.constant 15 : i32
        %parallel_loop3A_401 = arith.index_cast %parallel_loop3A_400 : i32 to index
        %parallel_loop3A_402 = arith.index_cast %parallel_loop3A_399 : i32 to index
        %parallel_loop3A_403 = tpu.vector_load %arg9[%parallel_loop3A_401, %parallel_loop3A_402] {strides = array<i32>} : memref<32x512xf32, #tpu.memory_space<vmem>>, vector<16xf32>,
        tpu.vector_store %arg9[%parallel_loop3A_401, %parallel_loop3A_402], %parallel_loop3A_291 {strides = array<i32>} : memref<32x512xf32, #tpu.memory_space<vmem>>, vector<16xf32>,
        %parallel_loop3A_404 = arith.constant 16 : i32
        %parallel_loop3A_405 = arith.muli %parallel_loop3A_271, %parallel_loop3A_404 : i32
        %parallel_loop3A_406 = arith.constant 16 : i32
        %parallel_loop3A_407 = arith.index_cast %parallel_loop3A_406 : i32 to index
        %parallel_loop3A_408 = arith.index_cast %parallel_loop3A_405 : i32 to index
        %parallel_loop3A_409 = tpu.vector_load %arg9[%parallel_loop3A_407, %parallel_loop3A_408] {strides = array<i32>} : memref<32x512xf32, #tpu.memory_space<vmem>>, vector<16xf32>,
        tpu.vector_store %arg9[%parallel_loop3A_407, %parallel_loop3A_408], %parallel_loop3A_292 {strides = array<i32>} : memref<32x512xf32, #tpu.memory_space<vmem>>, vector<16xf32>,
        %parallel_loop3A_410 = arith.constant 16 : i32
        %parallel_loop3A_411 = arith.muli %parallel_loop3A_271, %parallel_loop3A_410 : i32
        %parallel_loop3A_412 = arith.constant 17 : i32
        %parallel_loop3A_413 = arith.index_cast %parallel_loop3A_412 : i32 to index
        %parallel_loop3A_414 = arith.index_cast %parallel_loop3A_411 : i32 to index
        %parallel_loop3A_415 = tpu.vector_load %arg9[%parallel_loop3A_413, %parallel_loop3A_414] {strides = array<i32>} : memref<32x512xf32, #tpu.memory_space<vmem>>, vector<16xf32>,
        tpu.vector_store %arg9[%parallel_loop3A_413, %parallel_loop3A_414], %parallel_loop3A_293 {strides = array<i32>} : memref<32x512xf32, #tpu.memory_space<vmem>>, vector<16xf32>,
        %parallel_loop3A_416 = arith.constant 16 : i32
        %parallel_loop3A_417 = arith.muli %parallel_loop3A_271, %parallel_loop3A_416 : i32
        %parallel_loop3A_418 = arith.constant 18 : i32
        %parallel_loop3A_419 = arith.index_cast %parallel_loop3A_418 : i32 to index
        %parallel_loop3A_420 = arith.index_cast %parallel_loop3A_417 : i32 to index
        %parallel_loop3A_421 = tpu.vector_load %arg9[%parallel_loop3A_419, %parallel_loop3A_420] {strides = array<i32>} : memref<32x512xf32, #tpu.memory_space<vmem>>, vector<16xf32>,
        tpu.vector_store %arg9[%parallel_loop3A_419, %parallel_loop3A_420], %parallel_loop3A_294 {strides = array<i32>} : memref<32x512xf32, #tpu.memory_space<vmem>>, vector<16xf32>,
        %parallel_loop3A_422 = arith.constant 16 : i32
        %parallel_loop3A_423 = arith.muli %parallel_loop3A_271, %parallel_loop3A_422 : i32
        %parallel_loop3A_424 = arith.constant 19 : i32
        %parallel_loop3A_425 = arith.index_cast %parallel_loop3A_424 : i32 to index
        %parallel_loop3A_426 = arith.index_cast %parallel_loop3A_423 : i32 to index
        %parallel_loop3A_427 = tpu.vector_load %arg9[%parallel_loop3A_425, %parallel_loop3A_426] {strides = array<i32>} : memref<32x512xf32, #tpu.memory_space<vmem>>, vector<16xf32>,
        tpu.vector_store %arg9[%parallel_loop3A_425, %parallel_loop3A_426], %parallel_loop3A_295 {strides = array<i32>} : memref<32x512xf32, #tpu.memory_space<vmem>>, vector<16xf32>,
        %parallel_loop3A_428 = arith.constant 16 : i32
        %parallel_loop3A_429 = arith.muli %parallel_loop3A_271, %parallel_loop3A_428 : i32
        %parallel_loop3A_430 = arith.constant 20 : i32
        %parallel_loop3A_431 = arith.index_cast %parallel_loop3A_430 : i32 to index
        %parallel_loop3A_432 = arith.index_cast %parallel_loop3A_429 : i32 to index
        %parallel_loop3A_433 = tpu.vector_load %arg9[%parallel_loop3A_431, %parallel_loop3A_432] {strides = array<i32>} : memref<32x512xf32, #tpu.memory_space<vmem>>, vector<16xf32>,
        tpu.vector_store %arg9[%parallel_loop3A_431, %parallel_loop3A_432], %parallel_loop3A_296 {strides = array<i32>} : memref<32x512xf32, #tpu.memory_space<vmem>>, vector<16xf32>,
        %parallel_loop3A_434 = arith.constant 16 : i32
        %parallel_loop3A_435 = arith.muli %parallel_loop3A_271, %parallel_loop3A_434 : i32
        %parallel_loop3A_436 = arith.constant 21 : i32
        %parallel_loop3A_437 = arith.index_cast %parallel_loop3A_436 : i32 to index
        %parallel_loop3A_438 = arith.index_cast %parallel_loop3A_435 : i32 to index
        %parallel_loop3A_439 = tpu.vector_load %arg9[%parallel_loop3A_437, %parallel_loop3A_438] {strides = array<i32>} : memref<32x512xf32, #tpu.memory_space<vmem>>, vector<16xf32>,
        tpu.vector_store %arg9[%parallel_loop3A_437, %parallel_loop3A_438], %parallel_loop3A_297 {strides = array<i32>} : memref<32x512xf32, #tpu.memory_space<vmem>>, vector<16xf32>,
        %parallel_loop3A_440 = arith.constant 16 : i32
        %parallel_loop3A_441 = arith.muli %parallel_loop3A_271, %parallel_loop3A_440 : i32
        %parallel_loop3A_442 = arith.constant 22 : i32
        %parallel_loop3A_443 = arith.index_cast %parallel_loop3A_442 : i32 to index
        %parallel_loop3A_444 = arith.index_cast %parallel_loop3A_441 : i32 to index
        %parallel_loop3A_445 = tpu.vector_load %arg9[%parallel_loop3A_443, %parallel_loop3A_444] {strides = array<i32>} : memref<32x512xf32, #tpu.memory_space<vmem>>, vector<16xf32>,
        tpu.vector_store %arg9[%parallel_loop3A_443, %parallel_loop3A_444], %parallel_loop3A_298 {strides = array<i32>} : memref<32x512xf32, #tpu.memory_space<vmem>>, vector<16xf32>,
        %parallel_loop3A_446 = arith.constant 16 : i32
        %parallel_loop3A_447 = arith.muli %parallel_loop3A_271, %parallel_loop3A_446 : i32
        %parallel_loop3A_448 = arith.constant 23 : i32
        %parallel_loop3A_449 = arith.index_cast %parallel_loop3A_448 : i32 to index
        %parallel_loop3A_450 = arith.index_cast %parallel_loop3A_447 : i32 to index
        %parallel_loop3A_451 = tpu.vector_load %arg9[%parallel_loop3A_449, %parallel_loop3A_450] {strides = array<i32>} : memref<32x512xf32, #tpu.memory_space<vmem>>, vector<16xf32>,
        tpu.vector_store %arg9[%parallel_loop3A_449, %parallel_loop3A_450], %parallel_loop3A_299 {strides = array<i32>} : memref<32x512xf32, #tpu.memory_space<vmem>>, vector<16xf32>,
        %parallel_loop3A_452 = arith.constant 16 : i32
        %parallel_loop3A_453 = arith.muli %parallel_loop3A_271, %parallel_loop3A_452 : i32
        %parallel_loop3A_454 = arith.constant 24 : i32
        %parallel_loop3A_455 = arith.index_cast %parallel_loop3A_454 : i32 to index
        %parallel_loop3A_456 = arith.index_cast %parallel_loop3A_453 : i32 to index
        %parallel_loop3A_457 = tpu.vector_load %arg9[%parallel_loop3A_455, %parallel_loop3A_456] {strides = array<i32>} : memref<32x512xf32, #tpu.memory_space<vmem>>, vector<16xf32>,
        tpu.vector_store %arg9[%parallel_loop3A_455, %parallel_loop3A_456], %parallel_loop3A_300 {strides = array<i32>} : memref<32x512xf32, #tpu.memory_space<vmem>>, vector<16xf32>,
        %parallel_loop3A_458 = arith.constant 16 : i32
        %parallel_loop3A_459 = arith.muli %parallel_loop3A_271, %parallel_loop3A_458 : i32
        %parallel_loop3A_460 = arith.constant 25 : i32
        %parallel_loop3A_461 = arith.index_cast %parallel_loop3A_460 : i32 to index
        %parallel_loop3A_462 = arith.index_cast %parallel_loop3A_459 : i32 to index
        %parallel_loop3A_463 = tpu.vector_load %arg9[%parallel_loop3A_461, %parallel_loop3A_462] {strides = array<i32>} : memref<32x512xf32, #tpu.memory_space<vmem>>, vector<16xf32>,
        tpu.vector_store %arg9[%parallel_loop3A_461, %parallel_loop3A_462], %parallel_loop3A_301 {strides = array<i32>} : memref<32x512xf32, #tpu.memory_space<vmem>>, vector<16xf32>,
        %parallel_loop3A_464 = arith.constant 16 : i32
        %parallel_loop3A_465 = arith.muli %parallel_loop3A_271, %parallel_loop3A_464 : i32
        %parallel_loop3A_466 = arith.constant 26 : i32
        %parallel_loop3A_467 = arith.index_cast %parallel_loop3A_466 : i32 to index
        %parallel_loop3A_468 = arith.index_cast %parallel_loop3A_465 : i32 to index
        %parallel_loop3A_469 = tpu.vector_load %arg9[%parallel_loop3A_467, %parallel_loop3A_468] {strides = array<i32>} : memref<32x512xf32, #tpu.memory_space<vmem>>, vector<16xf32>,
        tpu.vector_store %arg9[%parallel_loop3A_467, %parallel_loop3A_468], %parallel_loop3A_302 {strides = array<i32>} : memref<32x512xf32, #tpu.memory_space<vmem>>, vector<16xf32>,
        %parallel_loop3A_470 = arith.constant 16 : i32
        %parallel_loop3A_471 = arith.muli %parallel_loop3A_271, %parallel_loop3A_470 : i32
        %parallel_loop3A_472 = arith.constant 27 : i32
        %parallel_loop3A_473 = arith.index_cast %parallel_loop3A_472 : i32 to index
        %parallel_loop3A_474 = arith.index_cast %parallel_loop3A_471 : i32 to index
        %parallel_loop3A_475 = tpu.vector_load %arg9[%parallel_loop3A_473, %parallel_loop3A_474] {strides = array<i32>} : memref<32x512xf32, #tpu.memory_space<vmem>>, vector<16xf32>,
        tpu.vector_store %arg9[%parallel_loop3A_473, %parallel_loop3A_474], %parallel_loop3A_303 {strides = array<i32>} : memref<32x512xf32, #tpu.memory_space<vmem>>, vector<16xf32>,
        %parallel_loop3A_476 = arith.constant 16 : i32
        %parallel_loop3A_477 = arith.muli %parallel_loop3A_271, %parallel_loop3A_476 : i32
        %parallel_loop3A_478 = arith.constant 28 : i32
        %parallel_loop3A_479 = arith.index_cast %parallel_loop3A_478 : i32 to index
        %parallel_loop3A_480 = arith.index_cast %parallel_loop3A_477 : i32 to index
        %parallel_loop3A_481 = tpu.vector_load %arg9[%parallel_loop3A_479, %parallel_loop3A_480] {strides = array<i32>} : memref<32x512xf32, #tpu.memory_space<vmem>>, vector<16xf32>,
        tpu.vector_store %arg9[%parallel_loop3A_479, %parallel_loop3A_480], %parallel_loop3A_304 {strides = array<i32>} : memref<32x512xf32, #tpu.memory_space<vmem>>, vector<16xf32>,
        %parallel_loop3A_482 = arith.constant 16 : i32
        %parallel_loop3A_483 = arith.muli %parallel_loop3A_271, %parallel_loop3A_482 : i32
        %parallel_loop3A_484 = arith.constant 29 : i32
        %parallel_loop3A_485 = arith.index_cast %parallel_loop3A_484 : i32 to index
        %parallel_loop3A_486 = arith.index_cast %parallel_loop3A_483 : i32 to index
        %parallel_loop3A_487 = tpu.vector_load %arg9[%parallel_loop3A_485, %parallel_loop3A_486] {strides = array<i32>} : memref<32x512xf32, #tpu.memory_space<vmem>>, vector<16xf32>,
        tpu.vector_store %arg9[%parallel_loop3A_485, %parallel_loop3A_486], %parallel_loop3A_305 {strides = array<i32>} : memref<32x512xf32, #tpu.memory_space<vmem>>, vector<16xf32>,
        %parallel_loop3A_488 = arith.constant 16 : i32
        %parallel_loop3A_489 = arith.muli %parallel_loop3A_271, %parallel_loop3A_488 : i32
        %parallel_loop3A_490 = arith.constant 30 : i32
        %parallel_loop3A_491 = arith.index_cast %parallel_loop3A_490 : i32 to index
        %parallel_loop3A_492 = arith.index_cast %parallel_loop3A_489 : i32 to index
        %parallel_loop3A_493 = tpu.vector_load %arg9[%parallel_loop3A_491, %parallel_loop3A_492] {strides = array<i32>} : memref<32x512xf32, #tpu.memory_space<vmem>>, vector<16xf32>,
        tpu.vector_store %arg9[%parallel_loop3A_491, %parallel_loop3A_492], %parallel_loop3A_306 {strides = array<i32>} : memref<32x512xf32, #tpu.memory_space<vmem>>, vector<16xf32>,
        %parallel_loop3A_494 = arith.constant 16 : i32
        %parallel_loop3A_495 = arith.muli %parallel_loop3A_271, %parallel_loop3A_494 : i32
        %parallel_loop3A_496 = arith.constant 31 : i32
        %parallel_loop3A_497 = arith.index_cast %parallel_loop3A_496 : i32 to index
        %parallel_loop3A_498 = arith.index_cast %parallel_loop3A_495 : i32 to index
        %parallel_loop3A_499 = tpu.vector_load %arg9[%parallel_loop3A_497, %parallel_loop3A_498] {strides = array<i32>} : memref<32x512xf32, #tpu.memory_space<vmem>>, vector<16xf32>,
        tpu.vector_store %arg9[%parallel_loop3A_497, %parallel_loop3A_498], %parallel_loop3A_307 {strides = array<i32>} : memref<32x512xf32, #tpu.memory_space<vmem>>, vector<16xf32>,
      } {sc.loop_unroll_factor = 2 : i64, sc.parallel_access}
      %dma_start3A_216 = arith.constant 0 : i32
      %dma_start3A_217 = tpu.memref_slice %arg4[%mul3A_86, %dma_start3A_216, %mul3A_2] : memref<50x32x16384xf32, #tpu.memory_space<hbm>> -> memref<1x32x512xf32, #tpu.memory_space<hbm>>
      %dma_start3A_218 = tpu.memref_squeeze %dma_start3A_217 : memref<1x32x512xf32, #tpu.memory_space<hbm>> -> memref<32x512xf32, #tpu.memory_space<hbm>>
      %dma_start3A_219 = arith.constant 0 : i32
      %dma_start3A_220 = tpu.memref_slice %arg4[%mul3A_86, %dma_start3A_219, %mul3A_2] : memref<50x32x16384xf32, #tpu.memory_space<hbm>> -> memref<1x32x512xf32, #tpu.memory_space<hbm>>
      %dma_start3A_221 = tpu.memref_squeeze %dma_start3A_220 : memref<1x32x512xf32, #tpu.memory_space<hbm>> -> memref<32x512xf32, #tpu.memory_space<hbm>>
      tpu.enqueue_dma source(%arg9 : memref<32x512xf32, #tpu.memory_space<vmem>>) target(%dma_start3A_221 : memref<32x512xf32, #tpu.memory_space<hbm>>) target_semaphore(%arg13 : memref<!tpu.dma_semaphore, #tpu.memory_space<semaphore_mem>>)
      %dma_wait3A_222 = arith.constant 0 : i32
      %dma_wait3A_223 = arith.constant 0 : i32
      %dma_wait3A_224 = arith.constant 0 : i32
      %dma_wait3A_225 = tpu.memref_slice %arg8[%dma_wait3A_223, %dma_wait3A_224] : memref<512x32xf32, #tpu.memory_space<vmem>> -> memref<128x32xf32, #tpu.memory_space<vmem>>
      %dma_wait3A_226 = arith.constant 0 : i32
      %dma_wait3A_227 = tpu.memref_slice %arg6[%dma_wait3A_222, %dma_wait3A_226] : memref<4x128xi32, #tpu.memory_space<vmem>> -> memref<1x128xi32, #tpu.memory_space<vmem>>
      %dma_wait3A_228 = tpu.memref_squeeze %dma_wait3A_227 : memref<1x128xi32, #tpu.memory_space<vmem>> -> memref<128xi32, #tpu.memory_space<vmem>>
      %dma_wait3A_229 = arith.constant 0 : i32
      %dma_wait3A_230 = arith.constant 0 : i32
      %dma_wait3A_231 = tpu.memref_slice %arg3[%dma_wait3A_229, %dma_wait3A_230] : memref<1000000x32xf32, #tpu.memory_space<hbm>> -> memref<1000000x32xf32, #tpu.memory_space<hbm>>
      tpu.wait_indirect_dma semaphore(%arg12 : memref<!tpu.dma_semaphore, #tpu.memory_space<semaphore_mem>>) src(%dma_wait3A_231 : memref<1000000x32xf32, #tpu.memory_space<hbm>>) dst(%dma_wait3A_225 : memref<128x32xf32, #tpu.memory_space<vmem>>)
      %dma_wait3A_232 = arith.constant 1 : i32
      %dma_wait3A_233 = arith.constant 128 : i32
      %dma_wait3A_234 = arith.constant 0 : i32
      %dma_wait3A_235 = tpu.memref_slice %arg8[%dma_wait3A_233, %dma_wait3A_234] : memref<512x32xf32, #tpu.memory_space<vmem>> -> memref<128x32xf32, #tpu.memory_space<vmem>>
      %dma_wait3A_236 = arith.constant 0 : i32
      %dma_wait3A_237 = tpu.memref_slice %arg6[%dma_wait3A_232, %dma_wait3A_236] : memref<4x128xi32, #tpu.memory_space<vmem>> -> memref<1x128xi32, #tpu.memory_space<vmem>>
      %dma_wait3A_238 = tpu.memref_squeeze %dma_wait3A_237 : memref<1x128xi32, #tpu.memory_space<vmem>> -> memref<128xi32, #tpu.memory_space<vmem>>
      %dma_wait3A_239 = arith.constant 0 : i32
      %dma_wait3A_240 = arith.constant 0 : i32
      %dma_wait3A_241 = tpu.memref_slice %arg3[%dma_wait3A_239, %dma_wait3A_240] : memref<1000000x32xf32, #tpu.memory_space<hbm>> -> memref<1000000x32xf32, #tpu.memory_space<hbm>>
      tpu.wait_indirect_dma semaphore(%arg12 : memref<!tpu.dma_semaphore, #tpu.memory_space<semaphore_mem>>) src(%dma_wait3A_241 : memref<1000000x32xf32, #tpu.memory_space<hbm>>) dst(%dma_wait3A_235 : memref<128x32xf32, #tpu.memory_space<vmem>>)
      %dma_wait3A_242 = arith.constant 2 : i32
      %dma_wait3A_243 = arith.constant 256 : i32
      %dma_wait3A_244 = arith.constant 0 : i32
      %dma_wait3A_245 = tpu.memref_slice %arg8[%dma_wait3A_243, %dma_wait3A_244] : memref<512x32xf32, #tpu.memory_space<vmem>> -> memref<128x32xf32, #tpu.memory_space<vmem>>
      %dma_wait3A_246 = arith.constant 0 : i32
      %dma_wait3A_247 = tpu.memref_slice %arg6[%dma_wait3A_242, %dma_wait3A_246] : memref<4x128xi32, #tpu.memory_space<vmem>> -> memref<1x128xi32, #tpu.memory_space<vmem>>
      %dma_wait3A_248 = tpu.memref_squeeze %dma_wait3A_247 : memref<1x128xi32, #tpu.memory_space<vmem>> -> memref<128xi32, #tpu.memory_space<vmem>>
      %dma_wait3A_249 = arith.constant 0 : i32
      %dma_wait3A_250 = arith.constant 0 : i32
      %dma_wait3A_251 = tpu.memref_slice %arg3[%dma_wait3A_249, %dma_wait3A_250] : memref<1000000x32xf32, #tpu.memory_space<hbm>> -> memref<1000000x32xf32, #tpu.memory_space<hbm>>
      tpu.wait_indirect_dma semaphore(%arg12 : memref<!tpu.dma_semaphore, #tpu.memory_space<semaphore_mem>>) src(%dma_wait3A_251 : memref<1000000x32xf32, #tpu.memory_space<hbm>>) dst(%dma_wait3A_245 : memref<128x32xf32, #tpu.memory_space<vmem>>)
      %dma_wait3A_252 = arith.constant 3 : i32
      %dma_wait3A_253 = arith.constant 384 : i32
      %dma_wait3A_254 = arith.constant 0 : i32
      %dma_wait3A_255 = tpu.memref_slice %arg8[%dma_wait3A_253, %dma_wait3A_254] : memref<512x32xf32, #tpu.memory_space<vmem>> -> memref<128x32xf32, #tpu.memory_space<vmem>>
      %dma_wait3A_256 = arith.constant 0 : i32
      %dma_wait3A_257 = tpu.memref_slice %arg6[%dma_wait3A_252, %dma_wait3A_256] : memref<4x128xi32, #tpu.memory_space<vmem>> -> memref<1x128xi32, #tpu.memory_space<vmem>>
      %dma_wait3A_258 = tpu.memref_squeeze %dma_wait3A_257 : memref<1x128xi32, #tpu.memory_space<vmem>> -> memref<128xi32, #tpu.memory_space<vmem>>
      %dma_wait3A_259 = arith.constant 0 : i32
      %dma_wait3A_260 = arith.constant 0 : i32
      %dma_wait3A_261 = tpu.memref_slice %arg3[%dma_wait3A_259, %dma_wait3A_260] : memref<1000000x32xf32, #tpu.memory_space<hbm>> -> memref<1000000x32xf32, #tpu.memory_space<hbm>>
      tpu.wait_indirect_dma semaphore(%arg12 : memref<!tpu.dma_semaphore, #tpu.memory_space<semaphore_mem>>) src(%dma_wait3A_261 : memref<1000000x32xf32, #tpu.memory_space<hbm>>) dst(%dma_wait3A_255 : memref<128x32xf32, #tpu.memory_space<vmem>>)
      %parallel_loop3A_262 = arith.constant 0 : i32
      %parallel_loop3A_263 = arith.constant 32 : i32
      %parallel_loop3A_264 = arith.constant 1 : i32
      scf.for %parallel_loop3A_271 = %parallel_loop3A_262 to %parallel_loop3A_263 step %parallel_loop3A_264  : i32 {
        %parallel_loop3A_272 = arith.constant 16 : i32
        %parallel_loop3A_273 = arith.muli %parallel_loop3A_271, %parallel_loop3A_272 : i32
        %parallel_loop3A_274 = vector.broadcast %parallel_loop3A_273 : i32 to vector<16xi32>
        %parallel_loop3A_275 = arith.addi %iota3A, %parallel_loop3A_274 : vector<16xi32>
        %parallel_loop3A_276 = tpu.vector_load_idx %arg8[%parallel_loop3A_275, %broadcast_in_dim3A_3] : memref<512x32xf32, #tpu.memory_space<vmem>>[vector<16xi32>, vector<16xi32>], vector<16xf32>,
        %parallel_loop3A_277 = tpu.vector_load_idx %arg8[%parallel_loop3A_275, %broadcast_in_dim3A_5] : memref<512x32xf32, #tpu.memory_space<vmem>>[vector<16xi32>, vector<16xi32>], vector<16xf32>,
        %parallel_loop3A_278 = tpu.vector_load_idx %arg8[%parallel_loop3A_275, %broadcast_in_dim3A_7] : memref<512x32xf32, #tpu.memory_space<vmem>>[vector<16xi32>, vector<16xi32>], vector<16xf32>,
        %parallel_loop3A_279 = tpu.vector_load_idx %arg8[%parallel_loop3A_275, %broadcast_in_dim3A_9] : memref<512x32xf32, #tpu.memory_space<vmem>>[vector<16xi32>, vector<16xi32>], vector<16xf32>,
        %parallel_loop3A_280 = tpu.vector_load_idx %arg8[%parallel_loop3A_275, %broadcast_in_dim3A_11] : memref<512x32xf32, #tpu.memory_space<vmem>>[vector<16xi32>, vector<16xi32>], vector<16xf32>,
        %parallel_loop3A_281 = tpu.vector_load_idx %arg8[%parallel_loop3A_275, %broadcast_in_dim3A_13] : memref<512x32xf32, #tpu.memory_space<vmem>>[vector<16xi32>, vector<16xi32>], vector<16xf32>,
        %parallel_loop3A_282 = tpu.vector_load_idx %arg8[%parallel_loop3A_275, %broadcast_in_dim3A_15] : memref<512x32xf32, #tpu.memory_space<vmem>>[vector<16xi32>, vector<16xi32>], vector<16xf32>,
        %parallel_loop3A_283 = tpu.vector_load_idx %arg8[%parallel_loop3A_275, %broadcast_in_dim3A_17] : memref<512x32xf32, #tpu.memory_space<vmem>>[vector<16xi32>, vector<16xi32>], vector<16xf32>,
        %parallel_loop3A_284 = tpu.vector_load_idx %arg8[%parallel_loop3A_275, %broadcast_in_dim3A_19] : memref<512x32xf32, #tpu.memory_space<vmem>>[vector<16xi32>, vector<16xi32>], vector<16xf32>,
        %parallel_loop3A_285 = tpu.vector_load_idx %arg8[%parallel_loop3A_275, %broadcast_in_dim3A_21] : memref<512x32xf32, #tpu.memory_space<vmem>>[vector<16xi32>, vector<16xi32>], vector<16xf32>,
        %parallel_loop3A_286 = tpu.vector_load_idx %arg8[%parallel_loop3A_275, %broadcast_in_dim3A_23] : memref<512x32xf32, #tpu.memory_space<vmem>>[vector<16xi32>, vector<16xi32>], vector<16xf32>,
        %parallel_loop3A_287 = tpu.vector_load_idx %arg8[%parallel_loop3A_275, %broadcast_in_dim3A_25] : memref<512x32xf32, #tpu.memory_space<vmem>>[vector<16xi32>, vector<16xi32>], vector<16xf32>,
        %parallel_loop3A_288 = tpu.vector_load_idx %arg8[%parallel_loop3A_275, %broadcast_in_dim3A_27] : memref<512x32xf32, #tpu.memory_space<vmem>>[vector<16xi32>, vector<16xi32>], vector<16xf32>,
        %parallel_loop3A_289 = tpu.vector_load_idx %arg8[%parallel_loop3A_275, %broadcast_in_dim3A_29] : memref<512x32xf32, #tpu.memory_space<vmem>>[vector<16xi32>, vector<16xi32>], vector<16xf32>,
        %parallel_loop3A_290 = tpu.vector_load_idx %arg8[%parallel_loop3A_275, %broadcast_in_dim3A_31] : memref<512x32xf32, #tpu.memory_space<vmem>>[vector<16xi32>, vector<16xi32>], vector<16xf32>,
        %parallel_loop3A_291 = tpu.vector_load_idx %arg8[%parallel_loop3A_275, %broadcast_in_dim3A_33] : memref<512x32xf32, #tpu.memory_space<vmem>>[vector<16xi32>, vector<16xi32>], vector<16xf32>,
        %parallel_loop3A_292 = tpu.vector_load_idx %arg8[%parallel_loop3A_275, %broadcast_in_dim3A_35] : memref<512x32xf32, #tpu.memory_space<vmem>>[vector<16xi32>, vector<16xi32>], vector<16xf32>,
        %parallel_loop3A_293 = tpu.vector_load_idx %arg8[%parallel_loop3A_275, %broadcast_in_dim3A_37] : memref<512x32xf32, #tpu.memory_space<vmem>>[vector<16xi32>, vector<16xi32>], vector<16xf32>,
        %parallel_loop3A_294 = tpu.vector_load_idx %arg8[%parallel_loop3A_275, %broadcast_in_dim3A_39] : memref<512x32xf32, #tpu.memory_space<vmem>>[vector<16xi32>, vector<16xi32>], vector<16xf32>,
        %parallel_loop3A_295 = tpu.vector_load_idx %arg8[%parallel_loop3A_275, %broadcast_in_dim3A_41] : memref<512x32xf32, #tpu.memory_space<vmem>>[vector<16xi32>, vector<16xi32>], vector<16xf32>,
        %parallel_loop3A_296 = tpu.vector_load_idx %arg8[%parallel_loop3A_275, %broadcast_in_dim3A_43] : memref<512x32xf32, #tpu.memory_space<vmem>>[vector<16xi32>, vector<16xi32>], vector<16xf32>,
        %parallel_loop3A_297 = tpu.vector_load_idx %arg8[%parallel_loop3A_275, %broadcast_in_dim3A_45] : memref<512x32xf32, #tpu.memory_space<vmem>>[vector<16xi32>, vector<16xi32>], vector<16xf32>,
        %parallel_loop3A_298 = tpu.vector_load_idx %arg8[%parallel_loop3A_275, %broadcast_in_dim3A_47] : memref<512x32xf32, #tpu.memory_space<vmem>>[vector<16xi32>, vector<16xi32>], vector<16xf32>,
        %parallel_loop3A_299 = tpu.vector_load_idx %arg8[%parallel_loop3A_275, %broadcast_in_dim3A_49] : memref<512x32xf32, #tpu.memory_space<vmem>>[vector<16xi32>, vector<16xi32>], vector<16xf32>,
        %parallel_loop3A_300 = tpu.vector_load_idx %arg8[%parallel_loop3A_275, %broadcast_in_dim3A_51] : memref<512x32xf32, #tpu.memory_space<vmem>>[vector<16xi32>, vector<16xi32>], vector<16xf32>,
        %parallel_loop3A_301 = tpu.vector_load_idx %arg8[%parallel_loop3A_275, %broadcast_in_dim3A_53] : memref<512x32xf32, #tpu.memory_space<vmem>>[vector<16xi32>, vector<16xi32>], vector<16xf32>,
        %parallel_loop3A_302 = tpu.vector_load_idx %arg8[%parallel_loop3A_275, %broadcast_in_dim3A_55] : memref<512x32xf32, #tpu.memory_space<vmem>>[vector<16xi32>, vector<16xi32>], vector<16xf32>,
        %parallel_loop3A_303 = tpu.vector_load_idx %arg8[%parallel_loop3A_275, %broadcast_in_dim3A_57] : memref<512x32xf32, #tpu.memory_space<vmem>>[vector<16xi32>, vector<16xi32>], vector<16xf32>,
        %parallel_loop3A_304 = tpu.vector_load_idx %arg8[%parallel_loop3A_275, %broadcast_in_dim3A_59] : memref<512x32xf32, #tpu.memory_space<vmem>>[vector<16xi32>, vector<16xi32>], vector<16xf32>,
        %parallel_loop3A_305 = tpu.vector_load_idx %arg8[%parallel_loop3A_275, %broadcast_in_dim3A_61] : memref<512x32xf32, #tpu.memory_space<vmem>>[vector<16xi32>, vector<16xi32>], vector<16xf32>,
        %parallel_loop3A_306 = tpu.vector_load_idx %arg8[%parallel_loop3A_275, %broadcast_in_dim3A_63] : memref<512x32xf32, #tpu.memory_space<vmem>>[vector<16xi32>, vector<16xi32>], vector<16xf32>,
        %parallel_loop3A_307 = tpu.vector_load_idx %arg8[%parallel_loop3A_275, %broadcast_in_dim3A_65] : memref<512x32xf32, #tpu.memory_space<vmem>>[vector<16xi32>, vector<16xi32>], vector<16xf32>,
        %parallel_loop3A_308 = arith.constant 16 : i32
        %parallel_loop3A_309 = arith.muli %parallel_loop3A_271, %parallel_loop3A_308 : i32
        %parallel_loop3A_310 = arith.constant 0 : i32
        %parallel_loop3A_311 = arith.index_cast %parallel_loop3A_310 : i32 to index
        %parallel_loop3A_312 = arith.index_cast %parallel_loop3A_309 : i32 to index
        %parallel_loop3A_313 = tpu.vector_load %arg10[%parallel_loop3A_311, %parallel_loop3A_312] {strides = array<i32>} : memref<32x512xf32, #tpu.memory_space<vmem>>, vector<16xf32>,
        tpu.vector_store %arg10[%parallel_loop3A_311, %parallel_loop3A_312], %parallel_loop3A_276 {strides = array<i32>} : memref<32x512xf32, #tpu.memory_space<vmem>>, vector<16xf32>,
        %parallel_loop3A_314 = arith.constant 16 : i32
        %parallel_loop3A_315 = arith.muli %parallel_loop3A_271, %parallel_loop3A_314 : i32
        %parallel_loop3A_316 = arith.constant 1 : i32
        %parallel_loop3A_317 = arith.index_cast %parallel_loop3A_316 : i32 to index
        %parallel_loop3A_318 = arith.index_cast %parallel_loop3A_315 : i32 to index
        %parallel_loop3A_319 = tpu.vector_load %arg10[%parallel_loop3A_317, %parallel_loop3A_318] {strides = array<i32>} : memref<32x512xf32, #tpu.memory_space<vmem>>, vector<16xf32>,
        tpu.vector_store %arg10[%parallel_loop3A_317, %parallel_loop3A_318], %parallel_loop3A_277 {strides = array<i32>} : memref<32x512xf32, #tpu.memory_space<vmem>>, vector<16xf32>,
        %parallel_loop3A_320 = arith.constant 16 : i32
        %parallel_loop3A_321 = arith.muli %parallel_loop3A_271, %parallel_loop3A_320 : i32
        %parallel_loop3A_322 = arith.constant 2 : i32
        %parallel_loop3A_323 = arith.index_cast %parallel_loop3A_322 : i32 to index
        %parallel_loop3A_324 = arith.index_cast %parallel_loop3A_321 : i32 to index
        %parallel_loop3A_325 = tpu.vector_load %arg10[%parallel_loop3A_323, %parallel_loop3A_324] {strides = array<i32>} : memref<32x512xf32, #tpu.memory_space<vmem>>, vector<16xf32>,
        tpu.vector_store %arg10[%parallel_loop3A_323, %parallel_loop3A_324], %parallel_loop3A_278 {strides = array<i32>} : memref<32x512xf32, #tpu.memory_space<vmem>>, vector<16xf32>,
        %parallel_loop3A_326 = arith.constant 16 : i32
        %parallel_loop3A_327 = arith.muli %parallel_loop3A_271, %parallel_loop3A_326 : i32
        %parallel_loop3A_328 = arith.constant 3 : i32
        %parallel_loop3A_329 = arith.index_cast %parallel_loop3A_328 : i32 to index
        %parallel_loop3A_330 = arith.index_cast %parallel_loop3A_327 : i32 to index
        %parallel_loop3A_331 = tpu.vector_load %arg10[%parallel_loop3A_329, %parallel_loop3A_330] {strides = array<i32>} : memref<32x512xf32, #tpu.memory_space<vmem>>, vector<16xf32>,
        tpu.vector_store %arg10[%parallel_loop3A_329, %parallel_loop3A_330], %parallel_loop3A_279 {strides = array<i32>} : memref<32x512xf32, #tpu.memory_space<vmem>>, vector<16xf32>,
        %parallel_loop3A_332 = arith.constant 16 : i32
        %parallel_loop3A_333 = arith.muli %parallel_loop3A_271, %parallel_loop3A_332 : i32
        %parallel_loop3A_334 = arith.constant 4 : i32
        %parallel_loop3A_335 = arith.index_cast %parallel_loop3A_334 : i32 to index
        %parallel_loop3A_336 = arith.index_cast %parallel_loop3A_333 : i32 to index
        %parallel_loop3A_337 = tpu.vector_load %arg10[%parallel_loop3A_335, %parallel_loop3A_336] {strides = array<i32>} : memref<32x512xf32, #tpu.memory_space<vmem>>, vector<16xf32>,
        tpu.vector_store %arg10[%parallel_loop3A_335, %parallel_loop3A_336], %parallel_loop3A_280 {strides = array<i32>} : memref<32x512xf32, #tpu.memory_space<vmem>>, vector<16xf32>,
        %parallel_loop3A_338 = arith.constant 16 : i32
        %parallel_loop3A_339 = arith.muli %parallel_loop3A_271, %parallel_loop3A_338 : i32
        %parallel_loop3A_340 = arith.constant 5 : i32
        %parallel_loop3A_341 = arith.index_cast %parallel_loop3A_340 : i32 to index
        %parallel_loop3A_342 = arith.index_cast %parallel_loop3A_339 : i32 to index
        %parallel_loop3A_343 = tpu.vector_load %arg10[%parallel_loop3A_341, %parallel_loop3A_342] {strides = array<i32>} : memref<32x512xf32, #tpu.memory_space<vmem>>, vector<16xf32>,
        tpu.vector_store %arg10[%parallel_loop3A_341, %parallel_loop3A_342], %parallel_loop3A_281 {strides = array<i32>} : memref<32x512xf32, #tpu.memory_space<vmem>>, vector<16xf32>,
        %parallel_loop3A_344 = arith.constant 16 : i32
        %parallel_loop3A_345 = arith.muli %parallel_loop3A_271, %parallel_loop3A_344 : i32
        %parallel_loop3A_346 = arith.constant 6 : i32
        %parallel_loop3A_347 = arith.index_cast %parallel_loop3A_346 : i32 to index
        %parallel_loop3A_348 = arith.index_cast %parallel_loop3A_345 : i32 to index
        %parallel_loop3A_349 = tpu.vector_load %arg10[%parallel_loop3A_347, %parallel_loop3A_348] {strides = array<i32>} : memref<32x512xf32, #tpu.memory_space<vmem>>, vector<16xf32>,
        tpu.vector_store %arg10[%parallel_loop3A_347, %parallel_loop3A_348], %parallel_loop3A_282 {strides = array<i32>} : memref<32x512xf32, #tpu.memory_space<vmem>>, vector<16xf32>,
        %parallel_loop3A_350 = arith.constant 16 : i32
        %parallel_loop3A_351 = arith.muli %parallel_loop3A_271, %parallel_loop3A_350 : i32
        %parallel_loop3A_352 = arith.constant 7 : i32
        %parallel_loop3A_353 = arith.index_cast %parallel_loop3A_352 : i32 to index
        %parallel_loop3A_354 = arith.index_cast %parallel_loop3A_351 : i32 to index
        %parallel_loop3A_355 = tpu.vector_load %arg10[%parallel_loop3A_353, %parallel_loop3A_354] {strides = array<i32>} : memref<32x512xf32, #tpu.memory_space<vmem>>, vector<16xf32>,
        tpu.vector_store %arg10[%parallel_loop3A_353, %parallel_loop3A_354], %parallel_loop3A_283 {strides = array<i32>} : memref<32x512xf32, #tpu.memory_space<vmem>>, vector<16xf32>,
        %parallel_loop3A_356 = arith.constant 16 : i32
        %parallel_loop3A_357 = arith.muli %parallel_loop3A_271, %parallel_loop3A_356 : i32
        %parallel_loop3A_358 = arith.constant 8 : i32
        %parallel_loop3A_359 = arith.index_cast %parallel_loop3A_358 : i32 to index
        %parallel_loop3A_360 = arith.index_cast %parallel_loop3A_357 : i32 to index
        %parallel_loop3A_361 = tpu.vector_load %arg10[%parallel_loop3A_359, %parallel_loop3A_360] {strides = array<i32>} : memref<32x512xf32, #tpu.memory_space<vmem>>, vector<16xf32>,
        tpu.vector_store %arg10[%parallel_loop3A_359, %parallel_loop3A_360], %parallel_loop3A_284 {strides = array<i32>} : memref<32x512xf32, #tpu.memory_space<vmem>>, vector<16xf32>,
        %parallel_loop3A_362 = arith.constant 16 : i32
        %parallel_loop3A_363 = arith.muli %parallel_loop3A_271, %parallel_loop3A_362 : i32
        %parallel_loop3A_364 = arith.constant 9 : i32
        %parallel_loop3A_365 = arith.index_cast %parallel_loop3A_364 : i32 to index
        %parallel_loop3A_366 = arith.index_cast %parallel_loop3A_363 : i32 to index
        %parallel_loop3A_367 = tpu.vector_load %arg10[%parallel_loop3A_365, %parallel_loop3A_366] {strides = array<i32>} : memref<32x512xf32, #tpu.memory_space<vmem>>, vector<16xf32>,
        tpu.vector_store %arg10[%parallel_loop3A_365, %parallel_loop3A_366], %parallel_loop3A_285 {strides = array<i32>} : memref<32x512xf32, #tpu.memory_space<vmem>>, vector<16xf32>,
        %parallel_loop3A_368 = arith.constant 16 : i32
        %parallel_loop3A_369 = arith.muli %parallel_loop3A_271, %parallel_loop3A_368 : i32
        %parallel_loop3A_370 = arith.constant 10 : i32
        %parallel_loop3A_371 = arith.index_cast %parallel_loop3A_370 : i32 to index
        %parallel_loop3A_372 = arith.index_cast %parallel_loop3A_369 : i32 to index
        %parallel_loop3A_373 = tpu.vector_load %arg10[%parallel_loop3A_371, %parallel_loop3A_372] {strides = array<i32>} : memref<32x512xf32, #tpu.memory_space<vmem>>, vector<16xf32>,
        tpu.vector_store %arg10[%parallel_loop3A_371, %parallel_loop3A_372], %parallel_loop3A_286 {strides = array<i32>} : memref<32x512xf32, #tpu.memory_space<vmem>>, vector<16xf32>,
        %parallel_loop3A_374 = arith.constant 16 : i32
        %parallel_loop3A_375 = arith.muli %parallel_loop3A_271, %parallel_loop3A_374 : i32
        %parallel_loop3A_376 = arith.constant 11 : i32
        %parallel_loop3A_377 = arith.index_cast %parallel_loop3A_376 : i32 to index
        %parallel_loop3A_378 = arith.index_cast %parallel_loop3A_375 : i32 to index
        %parallel_loop3A_379 = tpu.vector_load %arg10[%parallel_loop3A_377, %parallel_loop3A_378] {strides = array<i32>} : memref<32x512xf32, #tpu.memory_space<vmem>>, vector<16xf32>,
        tpu.vector_store %arg10[%parallel_loop3A_377, %parallel_loop3A_378], %parallel_loop3A_287 {strides = array<i32>} : memref<32x512xf32, #tpu.memory_space<vmem>>, vector<16xf32>,
        %parallel_loop3A_380 = arith.constant 16 : i32
        %parallel_loop3A_381 = arith.muli %parallel_loop3A_271, %parallel_loop3A_380 : i32
        %parallel_loop3A_382 = arith.constant 12 : i32
        %parallel_loop3A_383 = arith.index_cast %parallel_loop3A_382 : i32 to index
        %parallel_loop3A_384 = arith.index_cast %parallel_loop3A_381 : i32 to index
        %parallel_loop3A_385 = tpu.vector_load %arg10[%parallel_loop3A_383, %parallel_loop3A_384] {strides = array<i32>} : memref<32x512xf32, #tpu.memory_space<vmem>>, vector<16xf32>,
        tpu.vector_store %arg10[%parallel_loop3A_383, %parallel_loop3A_384], %parallel_loop3A_288 {strides = array<i32>} : memref<32x512xf32, #tpu.memory_space<vmem>>, vector<16xf32>,
        %parallel_loop3A_386 = arith.constant 16 : i32
        %parallel_loop3A_387 = arith.muli %parallel_loop3A_271, %parallel_loop3A_386 : i32
        %parallel_loop3A_388 = arith.constant 13 : i32
        %parallel_loop3A_389 = arith.index_cast %parallel_loop3A_388 : i32 to index
        %parallel_loop3A_390 = arith.index_cast %parallel_loop3A_387 : i32 to index
        %parallel_loop3A_391 = tpu.vector_load %arg10[%parallel_loop3A_389, %parallel_loop3A_390] {strides = array<i32>} : memref<32x512xf32, #tpu.memory_space<vmem>>, vector<16xf32>,
        tpu.vector_store %arg10[%parallel_loop3A_389, %parallel_loop3A_390], %parallel_loop3A_289 {strides = array<i32>} : memref<32x512xf32, #tpu.memory_space<vmem>>, vector<16xf32>,
        %parallel_loop3A_392 = arith.constant 16 : i32
        %parallel_loop3A_393 = arith.muli %parallel_loop3A_271, %parallel_loop3A_392 : i32
        %parallel_loop3A_394 = arith.constant 14 : i32
        %parallel_loop3A_395 = arith.index_cast %parallel_loop3A_394 : i32 to index
        %parallel_loop3A_396 = arith.index_cast %parallel_loop3A_393 : i32 to index
        %parallel_loop3A_397 = tpu.vector_load %arg10[%parallel_loop3A_395, %parallel_loop3A_396] {strides = array<i32>} : memref<32x512xf32, #tpu.memory_space<vmem>>, vector<16xf32>,
        tpu.vector_store %arg10[%parallel_loop3A_395, %parallel_loop3A_396], %parallel_loop3A_290 {strides = array<i32>} : memref<32x512xf32, #tpu.memory_space<vmem>>, vector<16xf32>,
        %parallel_loop3A_398 = arith.constant 16 : i32
        %parallel_loop3A_399 = arith.muli %parallel_loop3A_271, %parallel_loop3A_398 : i32
        %parallel_loop3A_400 = arith.constant 15 : i32
        %parallel_loop3A_401 = arith.index_cast %parallel_loop3A_400 : i32 to index
        %parallel_loop3A_402 = arith.index_cast %parallel_loop3A_399 : i32 to index
        %parallel_loop3A_403 = tpu.vector_load %arg10[%parallel_loop3A_401, %parallel_loop3A_402] {strides = array<i32>} : memref<32x512xf32, #tpu.memory_space<vmem>>, vector<16xf32>,
        tpu.vector_store %arg10[%parallel_loop3A_401, %parallel_loop3A_402], %parallel_loop3A_291 {strides = array<i32>} : memref<32x512xf32, #tpu.memory_space<vmem>>, vector<16xf32>,
        %parallel_loop3A_404 = arith.constant 16 : i32
        %parallel_loop3A_405 = arith.muli %parallel_loop3A_271, %parallel_loop3A_404 : i32
        %parallel_loop3A_406 = arith.constant 16 : i32
        %parallel_loop3A_407 = arith.index_cast %parallel_loop3A_406 : i32 to index
        %parallel_loop3A_408 = arith.index_cast %parallel_loop3A_405 : i32 to index
        %parallel_loop3A_409 = tpu.vector_load %arg10[%parallel_loop3A_407, %parallel_loop3A_408] {strides = array<i32>} : memref<32x512xf32, #tpu.memory_space<vmem>>, vector<16xf32>,
        tpu.vector_store %arg10[%parallel_loop3A_407, %parallel_loop3A_408], %parallel_loop3A_292 {strides = array<i32>} : memref<32x512xf32, #tpu.memory_space<vmem>>, vector<16xf32>,
        %parallel_loop3A_410 = arith.constant 16 : i32
        %parallel_loop3A_411 = arith.muli %parallel_loop3A_271, %parallel_loop3A_410 : i32
        %parallel_loop3A_412 = arith.constant 17 : i32
        %parallel_loop3A_413 = arith.index_cast %parallel_loop3A_412 : i32 to index
        %parallel_loop3A_414 = arith.index_cast %parallel_loop3A_411 : i32 to index
        %parallel_loop3A_415 = tpu.vector_load %arg10[%parallel_loop3A_413, %parallel_loop3A_414] {strides = array<i32>} : memref<32x512xf32, #tpu.memory_space<vmem>>, vector<16xf32>,
        tpu.vector_store %arg10[%parallel_loop3A_413, %parallel_loop3A_414], %parallel_loop3A_293 {strides = array<i32>} : memref<32x512xf32, #tpu.memory_space<vmem>>, vector<16xf32>,
        %parallel_loop3A_416 = arith.constant 16 : i32
        %parallel_loop3A_417 = arith.muli %parallel_loop3A_271, %parallel_loop3A_416 : i32
        %parallel_loop3A_418 = arith.constant 18 : i32
        %parallel_loop3A_419 = arith.index_cast %parallel_loop3A_418 : i32 to index
        %parallel_loop3A_420 = arith.index_cast %parallel_loop3A_417 : i32 to index
        %parallel_loop3A_421 = tpu.vector_load %arg10[%parallel_loop3A_419, %parallel_loop3A_420] {strides = array<i32>} : memref<32x512xf32, #tpu.memory_space<vmem>>, vector<16xf32>,
        tpu.vector_store %arg10[%parallel_loop3A_419, %parallel_loop3A_420], %parallel_loop3A_294 {strides = array<i32>} : memref<32x512xf32, #tpu.memory_space<vmem>>, vector<16xf32>,
        %parallel_loop3A_422 = arith.constant 16 : i32
        %parallel_loop3A_423 = arith.muli %parallel_loop3A_271, %parallel_loop3A_422 : i32
        %parallel_loop3A_424 = arith.constant 19 : i32
        %parallel_loop3A_425 = arith.index_cast %parallel_loop3A_424 : i32 to index
        %parallel_loop3A_426 = arith.index_cast %parallel_loop3A_423 : i32 to index
        %parallel_loop3A_427 = tpu.vector_load %arg10[%parallel_loop3A_425, %parallel_loop3A_426] {strides = array<i32>} : memref<32x512xf32, #tpu.memory_space<vmem>>, vector<16xf32>,
        tpu.vector_store %arg10[%parallel_loop3A_425, %parallel_loop3A_426], %parallel_loop3A_295 {strides = array<i32>} : memref<32x512xf32, #tpu.memory_space<vmem>>, vector<16xf32>,
        %parallel_loop3A_428 = arith.constant 16 : i32
        %parallel_loop3A_429 = arith.muli %parallel_loop3A_271, %parallel_loop3A_428 : i32
        %parallel_loop3A_430 = arith.constant 20 : i32
        %parallel_loop3A_431 = arith.index_cast %parallel_loop3A_430 : i32 to index
        %parallel_loop3A_432 = arith.index_cast %parallel_loop3A_429 : i32 to index
        %parallel_loop3A_433 = tpu.vector_load %arg10[%parallel_loop3A_431, %parallel_loop3A_432] {strides = array<i32>} : memref<32x512xf32, #tpu.memory_space<vmem>>, vector<16xf32>,
        tpu.vector_store %arg10[%parallel_loop3A_431, %parallel_loop3A_432], %parallel_loop3A_296 {strides = array<i32>} : memref<32x512xf32, #tpu.memory_space<vmem>>, vector<16xf32>,
        %parallel_loop3A_434 = arith.constant 16 : i32
        %parallel_loop3A_435 = arith.muli %parallel_loop3A_271, %parallel_loop3A_434 : i32
        %parallel_loop3A_436 = arith.constant 21 : i32
        %parallel_loop3A_437 = arith.index_cast %parallel_loop3A_436 : i32 to index
        %parallel_loop3A_438 = arith.index_cast %parallel_loop3A_435 : i32 to index
        %parallel_loop3A_439 = tpu.vector_load %arg10[%parallel_loop3A_437, %parallel_loop3A_438] {strides = array<i32>} : memref<32x512xf32, #tpu.memory_space<vmem>>, vector<16xf32>,
        tpu.vector_store %arg10[%parallel_loop3A_437, %parallel_loop3A_438], %parallel_loop3A_297 {strides = array<i32>} : memref<32x512xf32, #tpu.memory_space<vmem>>, vector<16xf32>,
        %parallel_loop3A_440 = arith.constant 16 : i32
        %parallel_loop3A_441 = arith.muli %parallel_loop3A_271, %parallel_loop3A_440 : i32
        %parallel_loop3A_442 = arith.constant 22 : i32
        %parallel_loop3A_443 = arith.index_cast %parallel_loop3A_442 : i32 to index
        %parallel_loop3A_444 = arith.index_cast %parallel_loop3A_441 : i32 to index
        %parallel_loop3A_445 = tpu.vector_load %arg10[%parallel_loop3A_443, %parallel_loop3A_444] {strides = array<i32>} : memref<32x512xf32, #tpu.memory_space<vmem>>, vector<16xf32>,
        tpu.vector_store %arg10[%parallel_loop3A_443, %parallel_loop3A_444], %parallel_loop3A_298 {strides = array<i32>} : memref<32x512xf32, #tpu.memory_space<vmem>>, vector<16xf32>,
        %parallel_loop3A_446 = arith.constant 16 : i32
        %parallel_loop3A_447 = arith.muli %parallel_loop3A_271, %parallel_loop3A_446 : i32
        %parallel_loop3A_448 = arith.constant 23 : i32
        %parallel_loop3A_449 = arith.index_cast %parallel_loop3A_448 : i32 to index
        %parallel_loop3A_450 = arith.index_cast %parallel_loop3A_447 : i32 to index
        %parallel_loop3A_451 = tpu.vector_load %arg10[%parallel_loop3A_449, %parallel_loop3A_450] {strides = array<i32>} : memref<32x512xf32, #tpu.memory_space<vmem>>, vector<16xf32>,
        tpu.vector_store %arg10[%parallel_loop3A_449, %parallel_loop3A_450], %parallel_loop3A_299 {strides = array<i32>} : memref<32x512xf32, #tpu.memory_space<vmem>>, vector<16xf32>,
        %parallel_loop3A_452 = arith.constant 16 : i32
        %parallel_loop3A_453 = arith.muli %parallel_loop3A_271, %parallel_loop3A_452 : i32
        %parallel_loop3A_454 = arith.constant 24 : i32
        %parallel_loop3A_455 = arith.index_cast %parallel_loop3A_454 : i32 to index
        %parallel_loop3A_456 = arith.index_cast %parallel_loop3A_453 : i32 to index
        %parallel_loop3A_457 = tpu.vector_load %arg10[%parallel_loop3A_455, %parallel_loop3A_456] {strides = array<i32>} : memref<32x512xf32, #tpu.memory_space<vmem>>, vector<16xf32>,
        tpu.vector_store %arg10[%parallel_loop3A_455, %parallel_loop3A_456], %parallel_loop3A_300 {strides = array<i32>} : memref<32x512xf32, #tpu.memory_space<vmem>>, vector<16xf32>,
        %parallel_loop3A_458 = arith.constant 16 : i32
        %parallel_loop3A_459 = arith.muli %parallel_loop3A_271, %parallel_loop3A_458 : i32
        %parallel_loop3A_460 = arith.constant 25 : i32
        %parallel_loop3A_461 = arith.index_cast %parallel_loop3A_460 : i32 to index
        %parallel_loop3A_462 = arith.index_cast %parallel_loop3A_459 : i32 to index
        %parallel_loop3A_463 = tpu.vector_load %arg10[%parallel_loop3A_461, %parallel_loop3A_462] {strides = array<i32>} : memref<32x512xf32, #tpu.memory_space<vmem>>, vector<16xf32>,
        tpu.vector_store %arg10[%parallel_loop3A_461, %parallel_loop3A_462], %parallel_loop3A_301 {strides = array<i32>} : memref<32x512xf32, #tpu.memory_space<vmem>>, vector<16xf32>,
        %parallel_loop3A_464 = arith.constant 16 : i32
        %parallel_loop3A_465 = arith.muli %parallel_loop3A_271, %parallel_loop3A_464 : i32
        %parallel_loop3A_466 = arith.constant 26 : i32
        %parallel_loop3A_467 = arith.index_cast %parallel_loop3A_466 : i32 to index
        %parallel_loop3A_468 = arith.index_cast %parallel_loop3A_465 : i32 to index
        %parallel_loop3A_469 = tpu.vector_load %arg10[%parallel_loop3A_467, %parallel_loop3A_468] {strides = array<i32>} : memref<32x512xf32, #tpu.memory_space<vmem>>, vector<16xf32>,
        tpu.vector_store %arg10[%parallel_loop3A_467, %parallel_loop3A_468], %parallel_loop3A_302 {strides = array<i32>} : memref<32x512xf32, #tpu.memory_space<vmem>>, vector<16xf32>,
        %parallel_loop3A_470 = arith.constant 16 : i32
        %parallel_loop3A_471 = arith.muli %parallel_loop3A_271, %parallel_loop3A_470 : i32
        %parallel_loop3A_472 = arith.constant 27 : i32
        %parallel_loop3A_473 = arith.index_cast %parallel_loop3A_472 : i32 to index
        %parallel_loop3A_474 = arith.index_cast %parallel_loop3A_471 : i32 to index
        %parallel_loop3A_475 = tpu.vector_load %arg10[%parallel_loop3A_473, %parallel_loop3A_474] {strides = array<i32>} : memref<32x512xf32, #tpu.memory_space<vmem>>, vector<16xf32>,
        tpu.vector_store %arg10[%parallel_loop3A_473, %parallel_loop3A_474], %parallel_loop3A_303 {strides = array<i32>} : memref<32x512xf32, #tpu.memory_space<vmem>>, vector<16xf32>,
        %parallel_loop3A_476 = arith.constant 16 : i32
        %parallel_loop3A_477 = arith.muli %parallel_loop3A_271, %parallel_loop3A_476 : i32
        %parallel_loop3A_478 = arith.constant 28 : i32
        %parallel_loop3A_479 = arith.index_cast %parallel_loop3A_478 : i32 to index
        %parallel_loop3A_480 = arith.index_cast %parallel_loop3A_477 : i32 to index
        %parallel_loop3A_481 = tpu.vector_load %arg10[%parallel_loop3A_479, %parallel_loop3A_480] {strides = array<i32>} : memref<32x512xf32, #tpu.memory_space<vmem>>, vector<16xf32>,
        tpu.vector_store %arg10[%parallel_loop3A_479, %parallel_loop3A_480], %parallel_loop3A_304 {strides = array<i32>} : memref<32x512xf32, #tpu.memory_space<vmem>>, vector<16xf32>,
        %parallel_loop3A_482 = arith.constant 16 : i32
        %parallel_loop3A_483 = arith.muli %parallel_loop3A_271, %parallel_loop3A_482 : i32
        %parallel_loop3A_484 = arith.constant 29 : i32
        %parallel_loop3A_485 = arith.index_cast %parallel_loop3A_484 : i32 to index
        %parallel_loop3A_486 = arith.index_cast %parallel_loop3A_483 : i32 to index
        %parallel_loop3A_487 = tpu.vector_load %arg10[%parallel_loop3A_485, %parallel_loop3A_486] {strides = array<i32>} : memref<32x512xf32, #tpu.memory_space<vmem>>, vector<16xf32>,
        tpu.vector_store %arg10[%parallel_loop3A_485, %parallel_loop3A_486], %parallel_loop3A_305 {strides = array<i32>} : memref<32x512xf32, #tpu.memory_space<vmem>>, vector<16xf32>,
        %parallel_loop3A_488 = arith.constant 16 : i32
        %parallel_loop3A_489 = arith.muli %parallel_loop3A_271, %parallel_loop3A_488 : i32
        %parallel_loop3A_490 = arith.constant 30 : i32
        %parallel_loop3A_491 = arith.index_cast %parallel_loop3A_490 : i32 to index
        %parallel_loop3A_492 = arith.index_cast %parallel_loop3A_489 : i32 to index
        %parallel_loop3A_493 = tpu.vector_load %arg10[%parallel_loop3A_491, %parallel_loop3A_492] {strides = array<i32>} : memref<32x512xf32, #tpu.memory_space<vmem>>, vector<16xf32>,
        tpu.vector_store %arg10[%parallel_loop3A_491, %parallel_loop3A_492], %parallel_loop3A_306 {strides = array<i32>} : memref<32x512xf32, #tpu.memory_space<vmem>>, vector<16xf32>,
        %parallel_loop3A_494 = arith.constant 16 : i32
        %parallel_loop3A_495 = arith.muli %parallel_loop3A_271, %parallel_loop3A_494 : i32
        %parallel_loop3A_496 = arith.constant 31 : i32
        %parallel_loop3A_497 = arith.index_cast %parallel_loop3A_496 : i32 to index
        %parallel_loop3A_498 = arith.index_cast %parallel_loop3A_495 : i32 to index
        %parallel_loop3A_499 = tpu.vector_load %arg10[%parallel_loop3A_497, %parallel_loop3A_498] {strides = array<i32>} : memref<32x512xf32, #tpu.memory_space<vmem>>, vector<16xf32>,
        tpu.vector_store %arg10[%parallel_loop3A_497, %parallel_loop3A_498], %parallel_loop3A_307 {strides = array<i32>} : memref<32x512xf32, #tpu.memory_space<vmem>>, vector<16xf32>,
      } {sc.loop_unroll_factor = 2 : i64, sc.parallel_access}
      %dma_start3A_265 = arith.constant 0 : i32
      %dma_start3A_266 = tpu.memref_slice %arg4[%add3A_88, %dma_start3A_265, %mul3A_2] : memref<50x32x16384xf32, #tpu.memory_space<hbm>> -> memref<1x32x512xf32, #tpu.memory_space<hbm>>
      %dma_start3A_267 = tpu.memref_squeeze %dma_start3A_266 : memref<1x32x512xf32, #tpu.memory_space<hbm>> -> memref<32x512xf32, #tpu.memory_space<hbm>>
      %dma_start3A_268 = arith.constant 0 : i32
      %dma_start3A_269 = tpu.memref_slice %arg4[%add3A_88, %dma_start3A_268, %mul3A_2] : memref<50x32x16384xf32, #tpu.memory_space<hbm>> -> memref<1x32x512xf32, #tpu.memory_space<hbm>>
      %dma_start3A_270 = tpu.memref_squeeze %dma_start3A_269 : memref<1x32x512xf32, #tpu.memory_space<hbm>> -> memref<32x512xf32, #tpu.memory_space<hbm>>
      tpu.enqueue_dma source(%arg10 : memref<32x512xf32, #tpu.memory_space<vmem>>) target(%dma_start3A_270 : memref<32x512xf32, #tpu.memory_space<hbm>>) target_semaphore(%arg14 : memref<!tpu.dma_semaphore, #tpu.memory_space<semaphore_mem>>)
    }
    %scan3A_70 = arith.constant 25 : i32
    %dma_wait3A = arith.constant 48 : i32
    %dma_wait3A_71 = arith.constant 0 : i32
    %dma_wait3A_72 = tpu.memref_slice %arg4[%dma_wait3A, %dma_wait3A_71, %mul3A_2] : memref<50x32x16384xf32, #tpu.memory_space<hbm>> -> memref<1x32x512xf32, #tpu.memory_space<hbm>>
    %dma_wait3A_73 = tpu.memref_squeeze %dma_wait3A_72 : memref<1x32x512xf32, #tpu.memory_space<hbm>> -> memref<32x512xf32, #tpu.memory_space<hbm>>
    %dma_wait3A_74 = arith.constant 0 : i32
    %dma_wait3A_75 = tpu.memref_slice %arg4[%dma_wait3A, %dma_wait3A_74, %mul3A_2] : memref<50x32x16384xf32, #tpu.memory_space<hbm>> -> memref<1x32x512xf32, #tpu.memory_space<hbm>>
    %dma_wait3A_76 = tpu.memref_squeeze %dma_wait3A_75 : memref<1x32x512xf32, #tpu.memory_space<hbm>> -> memref<32x512xf32, #tpu.memory_space<hbm>>
    tpu.wait_dma2 semaphore(%arg13 : memref<!tpu.dma_semaphore, #tpu.memory_space<semaphore_mem>>) src(%arg9 : memref<32x512xf32, #tpu.memory_space<vmem>>) dst(%dma_wait3A_76 : memref<32x512xf32, #tpu.memory_space<hbm>>)
    %dma_wait3A_77 = arith.constant 49 : i32
    %dma_wait3A_78 = arith.constant 0 : i32
    %dma_wait3A_79 = tpu.memref_slice %arg4[%dma_wait3A_77, %dma_wait3A_78, %mul3A_2] : memref<50x32x16384xf32, #tpu.memory_space<hbm>> -> memref<1x32x512xf32, #tpu.memory_space<hbm>>
    %dma_wait3A_80 = tpu.memref_squeeze %dma_wait3A_79 : memref<1x32x512xf32, #tpu.memory_space<hbm>> -> memref<32x512xf32, #tpu.memory_space<hbm>>
    %dma_wait3A_81 = arith.constant 0 : i32
    %dma_wait3A_82 = tpu.memref_slice %arg4[%dma_wait3A_77, %dma_wait3A_81, %mul3A_2] : memref<50x32x16384xf32, #tpu.memory_space<hbm>> -> memref<1x32x512xf32, #tpu.memory_space<hbm>>
    %dma_wait3A_83 = tpu.memref_squeeze %dma_wait3A_82 : memref<1x32x512xf32, #tpu.memory_space<hbm>> -> memref<32x512xf32, #tpu.memory_space<hbm>>
    tpu.wait_dma2 semaphore(%arg14 : memref<!tpu.dma_semaphore, #tpu.memory_space<semaphore_mem>>) src(%arg10 : memref<32x512xf32, #tpu.memory_space<vmem>>) dst(%dma_wait3A_83 : memref<32x512xf32, #tpu.memory_space<hbm>>)
    return
  }
}

</mosaic_0001>

<sc_bundles>
// kernel: kernel.3.cloned.1.call-start
scs
__scs_entry_jumppad:
0x0: {  	(pc) =	sbr.rel $0x88, $3  }
0x1: {  	(tag) =	ssettag $0x0;
	lr =	simm.s32 $0x1  }
0x2: {  	[smem:$0x3F9F] =	sst lr;
	_ =	strace $0xD0000000  }
0x3: {  	_ = 	snop  }
0x4: {  	_ = 	snop  }
0x5: {  	_ = 	snop  }
0x6: {  	_ = 	snop  }
0x7: {  	_ = 	snop  }
__scs_overlays_trampoline_lowered:
0x8: {  	[smem:$0x3FAE] =	sst s0  }
0x9: {  	[smem:$0x3FAF] =	sst s1  }
0xa: {  	[smem:$0x3FB0] =	sst s2  }
0xb: {  	[smem:$0x3FB1] =	sst s3  }
0xc: {  	[smem:$0x3FB2] =	sst s4  }
0xd: {  	[smem:$0x3FB3] =	sst s5  }
0xe: {  	[smem:$0x3FB4] =	sst s6  }
0xf: {  	[smem:$0x3FB5] =	sst s7  }
0x10: {  	[smem:$0x3FB6] =	sst s8  }
0x11: {  	[smem:$0x3FB7] =	sst s9;
	s0 =	simm.s32 @!p0 $0x0  }
0x12: {  	s1 =	sld [smem:$0x3F9D];
	s0 =	simm.s32 @p0 $0x1  }
0x13: {  	[smem:$0x3FB8] =	sst s0;
	s0 =	simm.s32 @!p1 $0x0  }
0x14: {  	s2 =	sld [smem:$0x3F9C];
	s0 =	simm.s32 @p1 $0x1  }
0x15: {  	[smem:$0x3FB9] =	sst s0;
	s0 =	simm.s32 @!p2 $0x0  }
0x16: {  	s3 =	sld [smem:$0x3FDB];
	s0 =	simm.s32 @p2 $0x1  }
0x17: {  	s4 =	simm.s32 $0x1BF5;
	[smem:$0x3FBB] =	sst s0  }
0x18: {  	s0 =	sld [smem:$0x3F9E];
	_ =	swait.ge [sflag:s4], $0x0  }
0x19: {  	s7 =	sld [smem:$0x3F9F]  }
0x1a: {  	s8 =	sadd.s32 $0xFFFFE003, lr  }
0x1b: {  	s9 =	sadd.s32 $0xFFFFFEF7, lr;
	s5 =	simm.s32 $0xFFFFFFFF;
	p2 =	slt.u32 s8, $0xFFFFF086  }
0x1c: {  	p1 =	slt.u32 s9, $0xF7A;
	s5 =	simm.s32 @!p2 $0x0  }
0x1d: {  	s5 =	simm.s32 @p1 $0x1;
	p0 =	seq.s32 s7, s2  }
0x1e: {  	s7 =	smul.u32 @!p0 $0xF7A, s2;
	p2 =	seq.s32 @!p0 s5, $0x0  }
0x1f: {  	s9 =	smul.u32 $0xF7A, s1;
	s8 =	simm.s32 @!p0 $0x1BF5;
	p2 =	por !p2, p0  }
0x20: {  	[sflag:s8] =	ssyncset.s32 @!p0 $0xFFFFF086;
	s6 =	sadd.s32 @!p0 s3, s7;
	s7 =	simm.s32 @!p0 $0x108  }
0x21: {  	s3 =	sadd.s32 s3, s9;
	s6 =	sadd.s32 @!p0 $0x88, s6;
	s7 =	simm.s32 @p2 $0x1082  }
0x22: {  	[simem:s7], [sflag:s8] =	dma.local @!p0 [hbm:s6], $0xF7A  }
0x23: {  	s9 =	sor.u32 $0xD0000000, s2;
	s6 =	simm.s32 $0x108;
	_ =	swait.ge @!p0 [sflag:s8], $0x0  }
0x24: {  	s3 =	sadd.s32 $0x88, s3;
	s6 =	simm.s32 @!p1 $0x1082;
	[sflag:s4] =	ssyncset.s32 $0xFFFFF086  }
0x25: {  	[simem:s6], [sflag:s4] =	dma.local [hbm:s3], $0xF7A  }
0x26: {  	[smem:$0x3F9F] =	sst s1;
	(tag) =	ssettag s2;
	_ =	strace s9  }
0x27: {  	s1 =	sld [smem:$0x3FAF]  }
0x28: {  	s2 =	sld [smem:$0x3FB0]  }
0x29: {  	s4 =	sld [smem:$0x3FB2]  }
0x2a: {  	p0 =	seq.s32 s5, $0x0;
	s5 =	sld [smem:$0x3FB3]  }
0x2b: {  	s6 =	sld [smem:$0x3FB4]  }
0x2c: {  	s7 =	sld [smem:$0x3FB5]  }
0x2d: {  	s3 =	simm.s32 $0x108;
	s8 =	sld [smem:$0x3FB6]  }
0x2e: {  	s3 =	simm.s32 @!p0 $0x1082;
	s9 =	sld [smem:$0x3FB7]  }
0x2f: {  	lr =	sadd.s32 s0, s3;
	s0 =	sld [smem:$0x3FAE]  }
0x30: {  	s3 =	sld [smem:$0x3FB1]  }
0x31: {  	[smem:$0x3FBA] =	sst s10  }
0x32: {  	s10 =	sld [smem:$0x3FB8];
	_ =	sdelay $0x3  }
0x33: {  	p0 =	seq.s32 s10, $0x1;
	s10 =	sld [smem:$0x3FBA];
	_ =	sdelay $0x3  }
0x34: {  	[smem:$0x3FBA] =	sst s10  }
0x35: {  	s10 =	sld [smem:$0x3FB9];
	_ =	sdelay $0x3  }
0x36: {  	p1 =	seq.s32 s10, $0x1;
	s10 =	sld [smem:$0x3FBA];
	_ =	sdelay $0x3  }
0x37: {  	[smem:$0x3FBA] =	sst s10  }
0x38: {  	s10 =	sld [smem:$0x3FBB]  }
0x39: {  	_ = 	snop;
	(pc) =	sbr.ind lr, $3  }
0x3a: {  	_ = 	snop  }
0x3b: {  	_ = 	snop  }
0x3c: {  	p2 =	seq.s32 s10, $0x1;
	s10 =	sld [smem:$0x3FBA]  }
0x3d: {  	_ =	shalt  }
0x3e: {  	_ =	shalt  }
0x3f: {  	_ =	shalt  }
0x40: {  	_ =	shalt  }
0x41: {  	_ =	shalt  }
0x42: {  	_ =	shalt  }
0x43: {  	_ =	shalt  }
0x44: {  	_ =	shalt  }
0x45: {  	_ =	shalt  }
0x46: {  	_ =	shalt  }
0x47: {  	_ =	shalt  }
0x48: {  	_ =	shalt  }
0x49: {  	_ =	shalt  }
0x4a: {  	_ =	shalt  }
0x4b: {  	_ =	shalt  }
0x4c: {  	_ =	shalt  }
0x4d: {  	_ =	shalt  }
0x4e: {  	_ =	shalt  }
0x4f: {  	_ =	shalt  }
0x50: {  	_ =	shalt  }
0x51: {  	_ =	shalt  }
0x52: {  	_ =	shalt  }
0x53: {  	_ =	shalt  }
0x54: {  	_ =	shalt  }
0x55: {  	_ =	shalt  }
0x56: {  	_ =	shalt  }
0x57: {  	_ =	shalt  }
0x58: {  	_ =	shalt  }
0x59: {  	_ =	shalt  }
0x5a: {  	_ =	shalt  }
0x5b: {  	_ =	shalt  }
0x5c: {  	_ =	shalt  }
0x5d: {  	_ =	shalt  }
0x5e: {  	_ =	shalt  }
0x5f: {  	_ =	shalt  }
0x60: {  	_ =	shalt  }
0x61: {  	_ =	shalt  }
0x62: {  	_ =	shalt  }
0x63: {  	_ =	shalt  }
0x64: {  	_ =	shalt  }
0x65: {  	_ =	shalt  }
0x66: {  	_ =	shalt  }
0x67: {  	_ =	shalt  }
0x68: {  	_ =	shalt  }
0x69: {  	_ =	shalt  }
0x6a: {  	_ =	shalt  }
0x6b: {  	_ =	shalt  }
0x6c: {  	_ =	shalt  }
0x6d: {  	_ =	shalt  }
0x6e: {  	_ =	shalt  }
0x6f: {  	_ =	shalt  }
0x70: {  	_ =	shalt  }
0x71: {  	_ =	shalt  }
0x72: {  	_ =	shalt  }
0x73: {  	_ =	shalt  }
0x74: {  	_ =	shalt  }
0x75: {  	_ =	shalt  }
0x76: {  	_ =	shalt  }
0x77: {  	_ =	shalt  }
0x78: {  	_ =	shalt  }
0x79: {  	_ =	shalt  }
0x7a: {  	_ =	shalt  }
0x7b: {  	_ =	shalt  }
0x7c: {  	_ =	shalt  }
0x7d: {  	_ =	shalt  }
0x7e: {  	_ =	shalt  }
0x7f: {  	_ =	shalt  }
0x80: {  	_ =	shalt  }
0x81: {  	_ =	shalt  }
0x82: {  	_ =	shalt  }
0x83: {  	_ =	shalt  }
0x84: {  	_ =	shalt  }
0x85: {  	_ =	shalt  }
0x86: {  	_ =	shalt  }
0x87: {  	_ =	shalt  }
.Lfunc_end0:
.L_simem_size_0:
called_computation_lowered:
.L_overlay_start_0:
0x88: {  	s2 =	sld [smem:$0x3FD9]  }
0x89: {  	s3 =	sld [smem:$0x3FFE];
	_ =	sdelay $0x1  }
0x8a: {  	s1 =	srdreg.scid  }
0x8b: {  	s0 =	sand.u32 $0x1, s1  }
0x8c: {  	s17 =	sshll.u32 s0, $0xA;
	s2 =	sadd.s32 s3, s2  }
0x8d: {  	s2 =	sadd.s32 s2, s17  }
0x8e: {  	[smem:$0x3FC6] =	sst s2  }
0x8f: {  	_ = 	snop  }
0x90: {  	s2 =	sld [smem:$0x3FD0];
	(tm) =	ssettm $0x1  }
0x91: {  	s18 =	sld [smem:$0x3FFB];
	_ =	sdelay $0x3  }
0x92: {  	_ =	strace s18  }
0x93: {  	s3 =	sld [smem:$0x3FFC];
	_ =	sdelay $0x3  }
0x94: {  	_ =	strace s3  }
0x95: {  	s3 =	sld [smem:$0x3FFD];
	_ =	sdelay $0x3  }
0x96: {  	_ =	strace s3  }
0x97: {  	_ =	strace $0x8FFFFFFF  }
0x98: {  	s19 =	sld [smem:$0x3FDB];
	_ =	sdelay $0x1  }
0x99: {  	s4 =	simm.s32 $_scs_section_size  }
0x9a: {  	s5 =	simm.s32 $_size__tile_overlayer_lowered;
	s6 =	simm.s32 $_tile_overlayer_lowered  }
0x9b: {  	s22 =	simm.s32 $0x1BFF;
	s21 =	sshll.u32 s6, $0x1;
	s3 =	sadd.s32 s4, s19  }
0x9c: {  	s7 =	simm.s32 $0x0;
	s20 =	sshll.u32 s5, $0x1;
	s5 =	sadd.s32 s21, s3  }
0x9d: {  	[timem:s7], [sflag:s22] =	dma.local [hbm:s5], s20  }
0x9e: {  	_ =	swait.ge [sflag:s22], s20  }
0x9f: {  	s4 =	ssub.s32 $0x0, s20;
	[sflag:s22] =	ssyncset.done $0x0  }
0xa0: {  	[sflag:s22] =	ssyncadd.s32 s4;
	_ =	sdelay $0x1  }
0xa1: {  	s23 =	simm.s32 $0x1B8B  }
0xa2: {  	_ =	swait.ge [sflag:s23], $0x1  }
0xa3: {  	[sflag:s23] =	ssyncset.done $0x0  }
0xa4: {  	s25 =	simm.s32 $0x1B8E;
	s24 =	sld [smem:$0x3FFE];
	[sflag:s23] =	ssyncadd.s32 $0xFFFFFFFF  }
0xa5: {  	s26 =	simm.s32 $execute0_lowered;
	[smem:$0x3FD2] =	sst s25  }
0xa6: {  	s5 =	sshll.u32 s26, $0x1;
	_ =	strace $0x80000046;
	[dreg:$0x1] =	wrdreg $0xFFFFFFFF  }
0xa7: {  	s28 =	simm.s32 $_size_execute0_lowered;
	s3 =	sadd.s32 s3, s5;
	[dreg:$0x0] =	wrdreg $0x0  }
0xa8: {  	s5 =	sshll.u32 s28, $0x1;
	[dreg:$0x2] =	wrdreg s3  }
0xa9: {  	[dreg:$0x3] =	wrdreg s5  }
0xaa: {  	[dreg:$0x4] =	wrdreg $0xC0  }
0xab: {  	_ =	task [dreg:s7], $0x5FFFF  }
0xac: {  	[dreg:$0x1] =	wrdreg $0xFFFFFFFF  }
0xad: {  	[dreg:$0x0] =	wrdreg $0x60  }
0xae: {  	[dreg:$0x2] =	wrdreg s2  }
0xaf: {  	[dreg:$0x3] =	wrdreg s24  }
0xb0: {  	[dreg:$0x4] =	wrdreg $0x9  }
0xb1: {  	_ =	task.clear_ibuf [dreg:s7], $0x5FFFF;
	_ =	strace $0x90000046  }
0xb2: {  	s29 =	simm.s32 $0x9;
	_ =	strace $0x80000048  }
0xb3: {  	_ =	swait.ge [sflag:s29], $0x1  }
0xb4: {  	[sflag:s29] =	ssyncadd.s32 $0xFFFFFFFF  }
0xb5: {  	_ =	strace $0x90000048  }
0xb6: {  	_ =	sfence  }
0xb7: {  	s30 =	sld [smem:$0x0];
	_ =	sdelay $0x2  }
0xb8: {  	s31 =	sshll.u32 s1, $0xD;
	s1 =	sshrl.u32 s1, $0x2  }
0xb9: {  	s3 =	sand.u32 $0x4000, s31;
	s1 =	sadd.s32 s1, s30  }
0xba: {  	s0 =	sor.u32 s3, s0;
	s1 =	sshll.u32 s1, $0x11  }
0xbb: {  	s0 =	sor.u32 s1, s0  }
0xbc: {  	s0 =	sadd.s32 $0x8F2B, s0  }
0xbd: {  	[sflag:s0] =	ssyncadd.remote.s32 $0x1  }
0xbe: {  	_ =	sfence.sel $0xFFFF  }
0xbf: {  	[dreg:$0x0] =	wrdreg $0xFFFFFFFF;
	(pc) =	sbr.abs _section_cstart, $3  }
0xc0: {  	[dreg:$0x1] =	wrdreg $0xFFFFFFFF  }
0xc1: {  	_ =	task.clear_ibuf [dreg:s7], $0x2FFFF;
	_ =	strace $0x9FFFFFFF  }
0xc2: {  	(tm) =	ssettm $0x7FFFFFFF  }
0xc3: {  	_ =	shalt  }
tec
execute0_lowered:
.L_overlay_start_1:
0x0: {  	(tag) =	ssettag $0x1  }
0x1: {  	s1 =	rddreg [dreg:$0x0]  }
0x2: {  	s0 =	rddreg [dreg:$0x1];
	s2 =	simm.s32 $0x0  }
0x3: {  	s3 =	srdreg.scid;
	s8 =	stileid.u32;
	s9 =	simm.s32 $0x80  }
0x4: {  	s10 =	simm.s32 $0x400;
	s12 =	simm.s32 $0x100;
	s13 =	simm.s32 $0x2400  }
0x5: {  	s14 =	simm.s32 $0x180;
	s15 =	simm.s32 $0x3400;
	s16 =	simm.s32 $0x200  }
0x6: {  	s17 =	simm.s32 $0x4400;
	s18 =	simm.s32 $0x280;
	s19 =	simm.s32 $0x5400  }
0x7: {  	s20 =	simm.s32 $0x300;
	s21 =	simm.s32 $0x6400;
	s22 =	simm.s32 $0x380  }
0x8: {  	s23 =	simm.s32 $0x7400;
	s24 =	simm.s32 $0x1;
	s25 =	simm.s32 $0x4000  }
0x9: {  	s26 =	simm.s32 $0x8400;
	s28 =	simm.s32 $0x2;
	s3 =	sand.u32 $0x1, s3  }
0xa: {  	s29 =	simm.s32 $0xC400;
	[smem:$0x7FF] =	sst s2;
	s5 =	ssub.s32 $0x2, s3  }
0xb: {  	v0 =	vlaneseq.u32;
	s4 =	sadd.s32 $0xF42A00, s0;
	s30 =	sshll.u32 s8, $0xA;
	s6 =	sshrl.u32 s5, $0x1  }
0xc: {  	s8 =	simm.s32 $0x5;
	v45 =	vmul.u32 $0x20, v0;
	_ =	strace $0x80000047;
	s7 =	ssub.s32 s5, s6  }
0xd: {  	s3 =	sshll.u32 s3, $0x9;
	s5 =	sadd.s32 $0x600, s0;
	s31 =	smax.u32 s7, $0x1  }
0xe: {  	[tilespmem:$0x1FFF0] =	vst v45;
	s6 =	sor.u32 s3, s30;
	s7 =	simm.s32 $0x0;
	[dreg:$0x3] =	wrdreg s31  }
.LBB2_1:
0xf: {  	[dreg:$0x4] =	wrdreg s7;
	s3 =	simm.s32 $0x0  }
.LBB2_2:
0x10: {  	s0 =	sshll.u32 s3, $0xF  }
0x11: {  	s0 =	sor.u32 s6, s0  }
0x12: {  	s0 =	sshrl.u32 s0, $0x3  }
0x13: {  	s0 =	sadd.s32 s1, s0  }
0x14: {  	[tilespmem:s2], [sflag:$0x5] =	stream.linear.gather [hbm4b:s0+s2], $0x200, $0x38;
	[tilespmem:$0x10400] =	vst v63  }
0x15: {  	_ =	swait.ge [sflag:s8], $0x200  }
0x16: {  	[sflag:s8] =	ssyncset.done $0x0  }
0x17: {  	[sflag:s8] =	ssyncadd.s32 $0xFFFFFE00  }
0x18: {  	[tilespmem:s10], [sflag:$0x1] =	stream.indirect.gather [hbm4b:s4+s9], $0x20, s2, s9, $0xb8;
	[tilespmem:$0x10400] =	vst v63  }
0x19: {  	s7 =	simm.s32 $0x1400  }
0x1a: {  	[tilespmem:s7], [sflag:$0x1] =	stream.indirect.gather [hbm4b:s4+s9], $0x20, s9, s9, $0xb8;
	[tilespmem:$0x10400] =	vst v63  }
0x1b: {  	s7 =	sshllo.u32 s3, $0x1  }
0x1c: {  	s11 =	sshll.u32 s7, $0xE  }
0x1d: {  	[tilespmem:s13], [sflag:$0x1] =	stream.indirect.gather [hbm4b:s4+s9], $0x20, s12, s9, $0xb8;
	[tilespmem:$0x10400] =	vst v63  }
0x1e: {  	s0 =	sor.u32 s6, s11  }
0x1f: {  	s0 =	sshrl.u32 s0, $0x3  }
0x20: {  	[tilespmem:s15], [sflag:$0x1] =	stream.indirect.gather [hbm4b:s4+s9], $0x20, s14, s9, $0xb8;
	[tilespmem:$0x10400] =	vst v63  }
0x21: {  	s0 =	sadd.s32 s1, s0  }
0x22: {  	[tilespmem:s16], [sflag:$0x5] =	stream.linear.gather [hbm4b:s0+s2], $0x200, $0x38;
	[tilespmem:$0x10400] =	vst v63  }
0x23: {  	_ =	swait.ge [sflag:s8], $0x200  }
0x24: {  	[sflag:s8] =	ssyncset.done $0x0  }
0x25: {  	[sflag:s8] =	ssyncadd.s32 $0xFFFFFE00  }
0x26: {  	[tilespmem:s17], [sflag:$0x2] =	stream.indirect.gather [hbm4b:s4+s9], $0x20, s16, s9, $0xb8;
	[tilespmem:$0x10400] =	vst v63  }
0x27: {  	_ = 	snop  }
0x28: {  	[tilespmem:s19], [sflag:$0x2] =	stream.indirect.gather [hbm4b:s4+s9], $0x20, s18, s9, $0xb8;
	[tilespmem:$0x10400] =	vst v63  }
0x29: {  	p0 =	seq.s32 s3, $0x0  }
0x2a: {  	[tilespmem:s21], [sflag:$0x2] =	stream.indirect.gather [hbm4b:s4+s9], $0x20, s20, s9, $0xb8;
	[tilespmem:$0x10400] =	vst v63  }
0x2b: {  	s0 =	simm.s32 @!p0 $0x3  }
0x2c: {  	[tilespmem:s23], [sflag:$0x2] =	stream.indirect.gather [hbm4b:s4+s9], $0x20, s22, s9, $0xb8;
	[tilespmem:$0x10400] =	vst v63  }
0x2d: {  	_ =	swait.ge @!p0 [sflag:s0], $0x4000  }
0x2e: {  	[sflag:s0] =	ssyncset.done @!p0 $0x0  }
0x2f: {  	[sflag:s0] =	ssyncadd.s32 @!p0 $0xFFFFC000;
	s0 =	simm.s32 @!p0 $0x4  }
0x30: {  	_ =	swait.ge @!p0 [sflag:s0], $0x4000  }
0x31: {  	[sflag:s0] =	ssyncset.done @!p0 $0x0  }
0x32: {  	[sflag:s0] =	ssyncadd.s32 @!p0 $0xFFFFC000  }
0x33: {  	_ =	swait.ge [sflag:s24], $0x1000  }
0x34: {  	[sflag:s24] =	ssyncset.done $0x0  }
0x35: {  	[sflag:s24] =	ssyncadd.s32 $0xFFFFF000  }
0x36: {  	_ =	swait.ge [sflag:s24], $0x1000  }
0x37: {  	s11 =	simm.s32 $0x10;
	[sflag:s24] =	ssyncset.done $0x0  }
0x38: {  	v0 =	vmov s11;
	[sflag:s24] =	ssyncadd.s32 $0xFFFFF000  }
0x39: {  	v0 =	vshll.u32 v0, $0x5;
	_ =	swait.ge [sflag:s24], $0x1000  }
0x3a: {  	v0 =	vor.u32 v45, v0;
	[sflag:s24] =	ssyncset.done $0x0  }
0x3b: {  	[sflag:s24] =	ssyncadd.s32 $0xFFFFF000  }
0x3c: {  	_ =	swait.ge [sflag:s24], $0x1000  }
0x3d: {  	[sflag:s24] =	ssyncset.done $0x0  }
0x3e: {  	[sflag:s24] =	ssyncadd.s32 $0xFFFFF000  }
0x3f: {  	v5 =	vld.idx.msk [tilespmem:v0+s10+$0x0], $0xffff  }
0x40: {  	v1 =	vor.u32 $0x1, v0  }
0x41: {  	v2 =	vor.u32 $0x2, v0  }
0x42: {  	v3 =	vor.u32 $0x3, v0  }
0x43: {  	v4 =	vor.u32 $0x4, v0  }
0x44: {  	v6 =	vor.u32 $0x6, v0;
	[tilespmem:$0x1FFD0] =	vst v5  }
0x45: {  	v7 =	vor.u32 $0x7, v0;
	v1 =	vld.idx.msk [tilespmem:v1+s10+$0x0], $0xffff  }
0x46: {  	v8 =	vor.u32 $0x8, v0;
	v2 =	vld.idx.msk [tilespmem:v2+s10+$0x0], $0xffff  }
0x47: {  	v9 =	vor.u32 $0x9, v0;
	v3 =	vld.idx.msk [tilespmem:v3+s10+$0x0], $0xffff  }
0x48: {  	v10 =	vor.u32 $0xA, v0;
	v4 =	vld.idx.msk [tilespmem:v4+s10+$0x0], $0xffff  }
0x49: {  	v11 =	vor.u32 $0xB, v0;
	v6 =	vld.idx.msk [tilespmem:v6+s10+$0x0], $0xffff  }
0x4a: {  	v12 =	vor.u32 $0xC, v0;
	v7 =	vld.idx.msk [tilespmem:v7+s10+$0x0], $0xffff  }
0x4b: {  	v13 =	vor.u32 $0xD, v0;
	v8 =	vld.idx.msk [tilespmem:v8+s10+$0x0], $0xffff  }
0x4c: {  	v14 =	vor.u32 $0xE, v0;
	v9 =	vld.idx.msk [tilespmem:v9+s10+$0x0], $0xffff  }
0x4d: {  	v15 =	vor.u32 $0xF, v0;
	v10 =	vld.idx.msk [tilespmem:v10+s10+$0x0], $0xffff  }
0x4e: {  	v17 =	vor.u32 $0x11, v0;
	v16 =	vld.idx.msk [tilespmem:v11+s10+$0x0], $0xffff  }
0x4f: {  	s11 =	simm.s32 $0x0;
	v19 =	vor.u32 $0x13, v0;
	v12 =	vld.idx.msk [tilespmem:v12+s10+$0x0], $0xffff  }
0x50: {  	v23 =	vmov s11;
	v22 =	vor.u32 $0x16, v0;
	v18 =	vld.idx.msk [tilespmem:v13+s10+$0x0], $0xffff  }
0x51: {  	v23 =	vshll.u32 v23, $0x5;
	v24 =	vor.u32 $0x1D, v0;
	v14 =	vld.idx.msk [tilespmem:v14+s10+$0x0], $0xffff  }
0x52: {  	v44 =	vor.u32 v45, v23;
	v20 =	vld.idx.msk [tilespmem:v15+s10+$0x0], $0xffff  }
0x53: {  	v11 =	vor.u32 $0x10, v0;
	v17 =	vld.idx.msk [tilespmem:v17+s10+$0x0], $0xffff  }
0x54: {  	v13 =	vor.u32 $0x12, v0;
	v27 =	vld.idx.msk [tilespmem:v19+s10+$0x0], $0xffff  }
0x55: {  	v5 =	vor.u32 $0x5, v0;
	v36 =	vld.idx.msk [tilespmem:v22+s10+$0x0], $0xffff  }
0x56: {  	v15 =	vor.u32 $0x14, v0;
	v31 =	vld.idx.msk [tilespmem:v24+s10+$0x0], $0xffff  }
0x57: {  	v19 =	vor.u32 $0x18, v0;
	v23 =	vld.idx.msk [tilespmem:v44+s10+$0x0], $0xffff  }
0x58: {  	v21 =	vld.idx.msk [tilespmem:v11+s10+$0x0], $0xffff;
	v11 =	vor.u32 $0x15, v0  }
0x59: {  	v25 =	vld.idx.msk [tilespmem:v13+s10+$0x0], $0xffff;
	v13 =	vor.u32 $0x17, v0  }
0x5a: {  	v22 =	vor.u32 $0x1A, v0;
	v5 =	vld.idx.msk [tilespmem:v5+s10+$0x0], $0xffff  }
0x5b: {  	v28 =	vld.idx.msk [tilespmem:v15+s10+$0x0], $0xffff;
	v15 =	vor.u32 $0x1F, v0  }
0x5c: {  	v41 =	vld.idx.msk [tilespmem:v19+s10+$0x0], $0xffff;
	v19 =	vor.u32 $0x1C, v0  }
0x5d: {  	v34 =	vld.idx.msk [tilespmem:v11+s10+$0x0], $0xffff;
	v11 =	vor.u32 $0x19, v0  }
0x5e: {  	v40 =	vld.idx.msk [tilespmem:v13+s10+$0x0], $0xffff;
	v13 =	vor.u32 $0x1B, v0  }
0x5f: {  	v39 =	vld.idx.msk [tilespmem:v22+s10+$0x0], $0xffff;
	v0 =	vor.u32 $0x1E, v0  }
0x60: {  	v15 =	vld.idx.msk [tilespmem:v15+s10+$0x0], $0xffff  }
0x61: {  	v35 =	vld.idx.msk [tilespmem:v19+s10+$0x0], $0xffff;
	v19 =	vor.u32 $0x3, v44  }
0x62: {  	v22 =	vor.u32 $0x4, v44;
	v38 =	vld.idx.msk [tilespmem:v11+s10+$0x0], $0xffff  }
0x63: {  	v51 =	vor.u32 $0x5, v44;
	v37 =	vld.idx.msk [tilespmem:v13+s10+$0x0], $0xffff  }
0x64: {  	s30 =	simm.s32 $0xA400;
	v52 =	vor.u32 $0x7, v44;
	v32 =	vld.idx.msk [tilespmem:v0+s10+$0x0], $0xffff;
	[tilespmem:$0x1FFE0] =	vst v23  }
0x65: {  	v55 =	vor.u32 $0xB, v44;
	[tilespmem:s30+$0x1E10] =	vst v15  }
0x66: {  	v56 =	vor.u32 $0xD, v44;
	[tilespmem:s30+$0xFFFFE210] =	vst v1;
	v29 =	vld.idx.msk [tilespmem:v19+s10+$0x0], $0xffff  }
0x67: {  	v57 =	vor.u32 $0xE, v44;
	[tilespmem:s30+$0xFFFFE410] =	vst v2;
	v26 =	vld.idx.msk [tilespmem:v22+s10+$0x0], $0xffff  }
0x68: {  	v58 =	vor.u32 $0xF, v44;
	[tilespmem:s30+$0xFFFFE610] =	vst v3;
	v24 =	vld.idx.msk [tilespmem:v51+s10+$0x0], $0xffff  }
0x69: {  	v59 =	vor.u32 $0x11, v44;
	[tilespmem:s30+$0xFFFFE810] =	vst v4;
	v19 =	vld.idx.msk [tilespmem:v52+s10+$0x0], $0xffff  }
0x6a: {  	v60 =	vor.u32 $0x13, v44;
	[tilespmem:s30+$0xFFFFEE10] =	vst v7;
	v7 =	vld.idx.msk [tilespmem:v55+s10+$0x0], $0xffff  }
0x6b: {  	v61 =	vor.u32 $0x14, v44;
	[tilespmem:s30+$0xFFFFEC10] =	vst v6;
	v6 =	vld.idx.msk [tilespmem:v56+s10+$0x0], $0xffff  }
0x6c: {  	v62 =	vor.u32 $0x15, v44;
	[tilespmem:s30+$0xFFFFF010] =	vst v8;
	v8 =	vld.idx.msk [tilespmem:v57+s10+$0x0], $0xffff  }
0x6d: {  	v11 =	vor.u32 $0x1, v44;
	[tilespmem:s30+$0xFFFFF810] =	vst v12;
	v12 =	vld.idx.msk [tilespmem:v58+s10+$0x0], $0xffff  }
0x6e: {  	v4 =	vor.u32 $0xA, v44;
	[tilespmem:s30+$0xFFFFF610] =	vst v16;
	v16 =	vld.idx.msk [tilespmem:v59+s10+$0x0], $0xffff  }
0x6f: {  	v63 =	vor.u32 $0x17, v44;
	[tilespmem:s30+$0x10] =	vst v21;
	v21 =	vld.idx.msk [tilespmem:v60+s10+$0x0], $0xffff  }
0x70: {  	v13 =	vor.u32 $0x2, v44;
	[tilespmem:s30+$0x210] =	vst v17;
	v17 =	vld.idx.msk [tilespmem:v61+s10+$0x0], $0xffff  }
0x71: {  	v54 =	vor.u32 $0x9, v44;
	[tilespmem:s30+$0xFFFFFA10] =	vst v18;
	v18 =	vld.idx.msk [tilespmem:v62+s10+$0x0], $0xffff  }
0x72: {  	[tilespmem:s30+$0xFFFFEA10] =	vst v5;
	v5 =	vor.u32 $0xC, v44;
	v33 =	vld.idx.msk [tilespmem:v11+s10+$0x0], $0xffff  }
0x73: {  	[tilespmem:s30+$0xFFFFF210] =	vst v9;
	v11 =	vld.idx.msk [tilespmem:v4+s10+$0x0], $0xffff;
	v4 =	vor.u32 $0x10, v44  }
0x74: {  	v15 =	vor.u32 $0x6, v44;
	[tilespmem:s30+$0x610] =	vst v27;
	v27 =	vld.idx.msk [tilespmem:v63+s10+$0x0], $0xffff  }
0x75: {  	v53 =	vor.u32 $0x8, v44;
	[tilespmem:s30+$0xFFFFF410] =	vst v10;
	v30 =	vld.idx.msk [tilespmem:v13+s10+$0x0], $0xffff  }
0x76: {  	v9 =	vor.u32 $0x12, v44;
	[tilespmem:s30+$0xFFFFFC10] =	vst v14;
	v13 =	vld.idx.msk [tilespmem:v54+s10+$0x0], $0xffff  }
0x77: {  	[tilespmem:s30+$0xFFFFFE10] =	vst v20;
	v42 =	vld.idx.msk [tilespmem:v5+s10+$0x0], $0xffff;
	v5 =	vor.u32 $0x18, v44  }
0x78: {  	[tilespmem:s30+$0x410] =	vst v25;
	v14 =	vld.idx.msk [tilespmem:v4+s10+$0x0], $0xffff;
	v4 =	vor.u32 $0x16, v44  }
0x79: {  	[tilespmem:s30+$0xA10] =	vst v34;
	v34 =	vor.u32 $0x19, v44;
	v23 =	vld.idx.msk [tilespmem:v15+s10+$0x0], $0xffff  }
0x7a: {  	[tilespmem:s30+$0x810] =	vst v28;
	v28 =	vor.u32 $0x1A, v44;
	v15 =	vld.idx.msk [tilespmem:v53+s10+$0x0], $0xffff  }
0x7b: {  	[tilespmem:s30+$0xC10] =	vst v36;
	v25 =	vor.u32 $0x1B, v44;
	v20 =	vld.idx.msk [tilespmem:v9+s10+$0x0], $0xffff  }
0x7c: {  	[tilespmem:s30+$0xE10] =	vst v40;
	v9 =	vor.u32 $0x1C, v44;
	v36 =	vld.idx.msk [tilespmem:v5+s10+$0x0], $0xffff  }
0x7d: {  	s31 =	simm.s32 $0x0;
	v43 =	vor.u32 $0x1E, v44;
	s0 =	simm.s32 $0x20;
	v10 =	vor.u32 $0x1D, v44;
	[tilespmem:s30+$0x1010] =	vst v41;
	v44 =	vor.u32 $0x1F, v44;
	v22 =	vld.idx.msk [tilespmem:v4+s10+$0x0], $0xffff  }
.LBB2_3:
0x7e: {  	v41 =	vld.idx.msk [tilespmem:v34+s10+$0x0], $0xffff;
	[tilespmem:s30+$0x1210] =	vst v38  }
0x7f: {  	v40 =	vld.idx.msk [tilespmem:v28+s10+$0x0], $0xffff;
	[tilespmem:s30+$0x1410] =	vst v39  }
0x80: {  	v39 =	vld.idx.msk [tilespmem:v25+s10+$0x0], $0xffff;
	[tilespmem:s30+$0x1610] =	vst v37  }
0x81: {  	v1 =	vmov s0;
	v38 =	vld.idx.msk [tilespmem:v9+s10+$0x0], $0xffff;
	[tilespmem:s30+$0x1810] =	vst v35  }
0x82: {  	s11 =	sadd.s32 $0x10, s0;
	v35 =	vld.idx.msk [tilespmem:v10+s10+$0x0], $0xffff;
	[tilespmem:s30+$0x1A10] =	vst v31;
	v1 =	vshll.u32 v1, $0x5  }
0x83: {  	v31 =	vld.idx.msk [tilespmem:v43+s10+$0x0], $0xffff;
	[tilespmem:s30+$0x1C10] =	vst v32;
	v2 =	vmov s11;
	v0 =	vor.u32 v45, v1  }
0x84: {  	v60 =	vshll.u32 v2, $0x5;
	v2 =	vld.idx.msk [tilespmem:v44+s10+$0x0], $0xffff;
	[tilespmem:s30+$0xFFFFE200] =	vst v33;
	v61 =	vor.u32 $0x2, v0  }
0x85: {  	v62 =	vor.u32 $0x4, v0;
	[tilespmem:$0x1FF80] =	vst v61  }
0x86: {  	v63 =	vor.u32 $0x6, v0;
	[tilespmem:$0x1FF90] =	vst v62  }
0x87: {  	v32 =	vor.u32 $0x8, v0;
	[tilespmem:$0x1FFA0] =	vst v63  }
0x88: {  	v37 =	vor.u32 v45, v60;
	v34 =	vor.u32 $0xC, v0;
	[tilespmem:$0x1FFB0] =	vst v32  }
0x89: {  	[tilespmem:$0x1FFC0] =	vst v34  }
0x8a: {  	v9 =	vor.u32 $0x1, v37;
	v32 =	vld.idx.msk [tilespmem:v0+s10+$0x0], $0xffff;
	[tilespmem:s30+$0xFFFFE400] =	vst v30  }
0x8b: {  	v10 =	vor.u32 $0x2, v37;
	[tilespmem:s30+$0xFFFFE600] =	vst v29  }
0x8c: {  	v4 =	vor.u32 $0x3, v37;
	[tilespmem:s30+$0xFFFFE800] =	vst v26  }
0x8d: {  	v3 =	vor.u32 $0x4, v37;
	v30 =	vld.idx.msk [tilespmem:v37+s10+$0x0], $0xffff;
	[tilespmem:s30+$0xFFFFEA00] =	vst v24  }
0x8e: {  	v25 =	vor.u32 $0x5, v37;
	[tilespmem:s30+$0x1E00] =	vst v2;
	v2 =	vld [tilespmem:$0x1FFD0]  }
0x8f: {  	v1 =	vor.u32 $0xB, v37;
	[tilespmem:s30+$0xFFFFEC00] =	vst v23;
	v29 =	vld.idx.msk [tilespmem:v9+s10+$0x0], $0xffff  }
0x90: {  	v5 =	vor.u32 $0xC, v37;
	[tilespmem:s30+$0xFFFFEE00] =	vst v19;
	v26 =	vld.idx.msk [tilespmem:v10+s10+$0x0], $0xffff  }
0x91: {  	[tilespmem:s30+$0xFFFFF800] =	vst v42;
	v42 =	vor.u32 $0xF, v37;
	v24 =	vld.idx.msk [tilespmem:v4+s10+$0x0], $0xffff  }
0x92: {  	[tilespmem:s30+$0xFFFFFA00] =	vst v6;
	v6 =	vor.u32 $0x10, v37;
	v23 =	vld.idx.msk [tilespmem:v3+s10+$0x0], $0xffff  }
0x93: {  	v52 =	vor.u32 $0x1, v0;
	v53 =	vor.u32 $0x3, v0;
	[tilespmem:s30+$0xFFFFFC00] =	vst v8;
	v8 =	vor.u32 $0x11, v37;
	v19 =	vld.idx.msk [tilespmem:v25+s10+$0x0], $0xffff  }
0x94: {  	v54 =	vor.u32 $0x5, v0;
	v55 =	vor.u32 $0x7, v0;
	[tilespmem:s30+$0xFFFFFE00] =	vst v12;
	v12 =	vor.u32 $0x12, v37;
	v1 =	vld.idx.msk [tilespmem:v1+s10+$0x0], $0xffff  }
0x95: {  	v51 =	vor.u32 $0xA, v0;
	v56 =	vor.u32 $0xB, v0;
	[tilespmem:s30+$0x0] =	vst v14;
	v14 =	vor.u32 $0x13, v37;
	v5 =	vld.idx.msk [tilespmem:v5+s10+$0x0], $0xffff  }
0x96: {  	v57 =	vor.u32 $0xD, v0;
	v45 =	vor.u32 $0xE, v0;
	[tilespmem:s30+$0x200] =	vst v16;
	v9 =	vor.u32 $0x6, v37;
	v16 =	vld.idx.msk [tilespmem:v42+s10+$0x0], $0xffff  }
0x97: {  	v58 =	vor.u32 $0xF, v0;
	v46 =	vor.u32 $0x10, v0;
	[tilespmem:s30+$0x400] =	vst v20;
	v10 =	vor.u32 $0x7, v37;
	v20 =	vld.idx.msk [tilespmem:v6+s10+$0x0], $0xffff  }
0x98: {  	v59 =	vor.u32 $0x11, v0;
	v47 =	vor.u32 $0x12, v0;
	[tilespmem:s30+$0x600] =	vst v21;
	v4 =	vor.u32 $0x8, v37;
	v21 =	vld.idx.msk [tilespmem:v8+s10+$0x0], $0xffff  }
0x99: {  	v60 =	vor.u32 $0x13, v0;
	v48 =	vor.u32 $0x14, v0;
	[tilespmem:s30+$0x800] =	vst v17;
	v3 =	vor.u32 $0x9, v37;
	v17 =	vld.idx.msk [tilespmem:v12+s10+$0x0], $0xffff  }
0x9a: {  	v49 =	vor.u32 $0x16, v0;
	v33 =	vor.u32 $0xA, v37;
	v50 =	vor.u32 $0x18, v0;
	[tilespmem:s30+$0xA00] =	vst v18;
	v18 =	vld.idx.msk [tilespmem:v14+s10+$0x0], $0xffff  }
0x9b: {  	v28 =	vor.u32 $0x1A, v0;
	v43 =	vor.u32 $0x1E, v0;
	[tilespmem:s30+$0xFFFFF000] =	vst v15;
	v42 =	vor.u32 $0x14, v37;
	v15 =	vld.idx.msk [tilespmem:v9+s10+$0x0], $0xffff  }
0x9c: {  	v44 =	vor.u32 $0x1F, v0;
	v63 =	vor.u32 $0x9, v0;
	[tilespmem:s30+$0xFFFFF200] =	vst v13;
	v6 =	vor.u32 $0x15, v37;
	v13 =	vld.idx.msk [tilespmem:v10+s10+$0x0], $0xffff  }
0x9d: {  	v61 =	vor.u32 $0x15, v0;
	v62 =	vor.u32 $0x17, v0;
	[tilespmem:s30+$0xFFFFF400] =	vst v11;
	v8 =	vor.u32 $0x16, v37;
	v11 =	vld.idx.msk [tilespmem:v4+s10+$0x0], $0xffff  }
0x9e: {  	v34 =	vor.u32 $0x19, v0;
	[tilespmem:s30+$0xFFFFF600] =	vst v7;
	v25 =	vor.u32 $0x1B, v0;
	v12 =	vor.u32 $0x17, v37;
	v7 =	vld.idx.msk [tilespmem:v3+s10+$0x0], $0xffff  }
0x9f: {  	v14 =	vor.u32 $0x18, v37;
	v9 =	vor.u32 $0x1C, v0;
	v10 =	vor.u32 $0x1D, v0;
	v0 =	vld.idx.msk [tilespmem:v33+s10+$0x0], $0xffff  }
0xa0: {  	[tilespmem:s30+$0xC00] =	vst v22;
	v4 =	vor.u32 $0xD, v37;
	v22 =	vld.idx.msk [tilespmem:v42+s10+$0x0], $0xffff  }
0xa1: {  	[tilespmem:s30+$0xE00] =	vst v27;
	v3 =	vor.u32 $0xE, v37;
	v27 =	vld.idx.msk [tilespmem:v6+s10+$0x0], $0xffff  }
0xa2: {  	[tilespmem:s30+$0x1000] =	vst v36;
	v33 =	vor.u32 $0x1F, v37;
	v36 =	vld.idx.msk [tilespmem:v8+s10+$0x0], $0xffff  }
0xa3: {  	[tilespmem:s30+$0x1200] =	vst v41;
	v6 =	vor.u32 $0x19, v37;
	v41 =	vld.idx.msk [tilespmem:v12+s10+$0x0], $0xffff  }
0xa4: {  	[tilespmem:s30+$0x1400] =	vst v40;
	v8 =	vor.u32 $0x1A, v37;
	v40 =	vld.idx.msk [tilespmem:v14+s10+$0x0], $0xffff  }
0xa5: {  	v12 =	vor.u32 $0x1B, v37;
	v4 =	vld.idx.msk [tilespmem:v4+s10+$0x0], $0xffff  }
0xa6: {  	v14 =	vor.u32 $0x1C, v37;
	v3 =	vld.idx.msk [tilespmem:v3+s10+$0x0], $0xffff  }
0xa7: {  	v42 =	vor.u32 $0x1D, v37;
	v33 =	vld.idx.msk [tilespmem:v33+s10+$0x0], $0xffff  }
0xa8: {  	[tilespmem:s30+$0x1800] =	vst v38;
	v38 =	vld.idx.msk [tilespmem:v6+s10+$0x0], $0xffff  }
0xa9: {  	[tilespmem:s30+$0x1600] =	vst v39;
	v39 =	vld.idx.msk [tilespmem:v8+s10+$0x0], $0xffff  }
0xaa: {  	[tilespmem:s30+$0x1A00] =	vst v35;
	v6 =	vor.u32 $0x1E, v37;
	v37 =	vld.idx.msk [tilespmem:v12+s10+$0x0], $0xffff  }
0xab: {  	v35 =	vld.idx.msk [tilespmem:v14+s10+$0x0], $0xffff;
	[tilespmem:s30+$0xFFFFE010] =	vst v2  }
0xac: {  	[tilespmem:s30+$0x1C00] =	vst v31;
	v31 =	vld.idx.msk [tilespmem:v42+s10+$0x0], $0xffff  }
0xad: {  	v42 =	vld [tilespmem:$0x1FFE0];
	_ =	sdelay $0x4  }
0xae: {  	[tilespmem:s30+$0xFFFFE000] =	vst v42;
	s30 =	sadd.s32 $0x20, s30;
	v42 =	vmov v32;
	v32 =	vld.idx.msk [tilespmem:v6+s10+$0x0], $0xffff  }
0xaf: {  	[tilespmem:s30+$0x1E10] =	vst v33;
	v33 =	vld.idx.msk [tilespmem:v52+s10+$0x0], $0xffff  }
0xb0: {  	v52 =	vld [tilespmem:$0x1FF80]  }
0xb1: {  	[tilespmem:s30+$0xFFFFE210] =	vst v29;
	v29 =	vld.idx.msk [tilespmem:v53+s10+$0x0], $0xffff  }
0xb2: {  	v53 =	vld [tilespmem:$0x1FF90]  }
0xb3: {  	[tilespmem:s30+$0xFFFFE610] =	vst v24;
	v24 =	vld.idx.msk [tilespmem:v54+s10+$0x0], $0xffff  }
0xb4: {  	v54 =	vld [tilespmem:$0x1FFA0]  }
0xb5: {  	v2 =	vmov v30;
	[tilespmem:s30+$0xFFFFEA10] =	vst v19;
	v19 =	vld.idx.msk [tilespmem:v55+s10+$0x0], $0xffff  }
0xb6: {  	[tilespmem:$0x1FFD0] =	vst v2;
	v55 =	vld [tilespmem:$0x1FFB0]  }
0xb7: {  	[tilespmem:s30+$0xFFFFEE10] =	vst v13;
	v13 =	vld.idx.msk [tilespmem:v63+s10+$0x0], $0xffff  }
0xb8: {  	[tilespmem:s30+$0xFFFFF010] =	vst v11;
	v11 =	vld.idx.msk [tilespmem:v51+s10+$0x0], $0xffff  }
0xb9: {  	[tilespmem:s30+$0xFFFFF210] =	vst v7;
	v7 =	vld.idx.msk [tilespmem:v56+s10+$0x0], $0xffff  }
0xba: {  	[tilespmem:$0x1FFE0] =	vst v42;
	v63 =	vld [tilespmem:$0x1FFC0]  }
0xbb: {  	[tilespmem:s30+$0xFFFFE410] =	vst v26;
	v6 =	vld.idx.msk [tilespmem:v57+s10+$0x0], $0xffff  }
0xbc: {  	[tilespmem:s30+$0xFFFFE810] =	vst v23;
	v8 =	vld.idx.msk [tilespmem:v45+s10+$0x0], $0xffff  }
0xbd: {  	[tilespmem:s30+$0xFFFFEC10] =	vst v15;
	v45 =	vld [tilespmem:$0x1FFF0]  }
0xbe: {  	[tilespmem:s30+$0xFFFFF410] =	vst v0;
	v12 =	vld.idx.msk [tilespmem:v58+s10+$0x0], $0xffff  }
0xbf: {  	[tilespmem:s30+$0xFFFFF610] =	vst v1;
	v14 =	vld.idx.msk [tilespmem:v46+s10+$0x0], $0xffff  }
0xc0: {  	[tilespmem:s30+$0xFFFFFE10] =	vst v16;
	v16 =	vld.idx.msk [tilespmem:v59+s10+$0x0], $0xffff  }
0xc1: {  	[tilespmem:s30+$0x10] =	vst v20;
	v20 =	vld.idx.msk [tilespmem:v47+s10+$0x0], $0xffff  }
0xc2: {  	[tilespmem:s30+$0x210] =	vst v21;
	v21 =	vld.idx.msk [tilespmem:v60+s10+$0x0], $0xffff  }
0xc3: {  	[tilespmem:s30+$0x410] =	vst v17;
	v17 =	vld.idx.msk [tilespmem:v48+s10+$0x0], $0xffff  }
0xc4: {  	[tilespmem:s30+$0x610] =	vst v18;
	v18 =	vld.idx.msk [tilespmem:v61+s10+$0x0], $0xffff  }
0xc5: {  	[tilespmem:s30+$0x810] =	vst v22;
	v22 =	vld.idx.msk [tilespmem:v49+s10+$0x0], $0xffff  }
0xc6: {  	s31 =	sadd.s32 $0x2, s31;
	[tilespmem:s30+$0xA10] =	vst v27;
	v27 =	vld.idx.msk [tilespmem:v62+s10+$0x0], $0xffff  }
0xc7: {  	p0 =	slt.u32 s31, $0x1E;
	[tilespmem:s30+$0xC10] =	vst v36;
	v36 =	vld.idx.msk [tilespmem:v50+s10+$0x0], $0xffff  }
.Ltmp0:
0xc8: {  	[tilespmem:s30+$0xFFFFF810] =	vst v5;
	v30 =	vld.idx.msk [tilespmem:v52+s10+$0x0], $0xffff;
	(pc) =	sbr.rel @p0 .LBB2_3-.Ltmp0, $4  }
0xc9: {  	[tilespmem:s30+$0xFFFFFA10] =	vst v4;
	v26 =	vld.idx.msk [tilespmem:v53+s10+$0x0], $0xffff  }
0xca: {  	[tilespmem:s30+$0xFFFFFC10] =	vst v3;
	v23 =	vld.idx.msk [tilespmem:v54+s10+$0x0], $0xffff  }
0xcb: {  	[tilespmem:s30+$0xE10] =	vst v41;
	v15 =	vld.idx.msk [tilespmem:v55+s10+$0x0], $0xffff  }
0xcc: {  	s0 =	sadd.s32 $0x20, s0;
	[tilespmem:s30+$0x1010] =	vst v40;
	v42 =	vld.idx.msk [tilespmem:v63+s10+$0x0], $0xffff  }
0xcd: {  	_ =	sdelay $0x3  }
0xce: {  	v0 =	vld.idx.msk [tilespmem:v34+s10+$0x0], $0xffff;
	[tilespmem:s30+$0x1210] =	vst v38  }
0xcf: {  	v1 =	vld.idx.msk [tilespmem:v28+s10+$0x0], $0xffff;
	[tilespmem:s30+$0x1410] =	vst v39  }
0xd0: {  	v2 =	vld.idx.msk [tilespmem:v25+s10+$0x0], $0xffff;
	[tilespmem:s30+$0x1610] =	vst v37  }
0xd1: {  	v3 =	vld.idx.msk [tilespmem:v9+s10+$0x0], $0xffff;
	[tilespmem:s30+$0x1810] =	vst v35  }
0xd2: {  	v4 =	vld.idx.msk [tilespmem:v10+s10+$0x0], $0xffff;
	[tilespmem:s30+$0x1A10] =	vst v31  }
0xd3: {  	v5 =	vld.idx.msk [tilespmem:v43+s10+$0x0], $0xffff;
	[tilespmem:s30+$0x1C10] =	vst v32  }
0xd4: {  	v9 =	vld.idx.msk [tilespmem:v44+s10+$0x0], $0xffff;
	[tilespmem:s30+$0xFFFFE200] =	vst v33  }
0xd5: {  	[tilespmem:s30+$0xFFFFE400] =	vst v30  }
0xd6: {  	[tilespmem:s30+$0xFFFFE600] =	vst v29  }
0xd7: {  	[tilespmem:s30+$0xFFFFEA00] =	vst v24  }
0xd8: {  	[tilespmem:s30+$0xFFFFEE00] =	vst v19  }
0xd9: {  	[tilespmem:s30+$0xFFFFF200] =	vst v13  }
0xda: {  	[tilespmem:s30+$0xFFFFF400] =	vst v11  }
0xdb: {  	[tilespmem:s30+$0xFFFFF600] =	vst v7  }
0xdc: {  	[tilespmem:s30+$0xFFFFFA00] =	vst v6  }
0xdd: {  	[tilespmem:s30+$0xFFFFFC00] =	vst v8  }
0xde: {  	[tilespmem:s30+$0xFFFFFE00] =	vst v12  }
0xdf: {  	[tilespmem:s30+$0x0] =	vst v14  }
0xe0: {  	[tilespmem:s30+$0x200] =	vst v16  }
0xe1: {  	[tilespmem:s30+$0x400] =	vst v20  }
0xe2: {  	[tilespmem:s30+$0x600] =	vst v21  }
0xe3: {  	[tilespmem:s30+$0x800] =	vst v17  }
0xe4: {  	[tilespmem:s30+$0xA00] =	vst v18  }
0xe5: {  	[tilespmem:s30+$0xC00] =	vst v22  }
0xe6: {  	[tilespmem:s30+$0xE00] =	vst v27  }
0xe7: {  	[tilespmem:s30+$0x1000] =	vst v36  }
0xe8: {  	[tilespmem:s30+$0xFFFFE800] =	vst v26  }
0xe9: {  	[tilespmem:s30+$0xFFFFEC00] =	vst v23  }
0xea: {  	[tilespmem:s30+$0xFFFFF000] =	vst v15  }
0xeb: {  	[tilespmem:s30+$0xFFFFF800] =	vst v42  }
0xec: {  	[tilespmem:s30+$0x1200] =	vst v0  }
0xed: {  	[tilespmem:s30+$0x1400] =	vst v1  }
0xee: {  	[tilespmem:s30+$0x1600] =	vst v2  }
0xef: {  	[tilespmem:s30+$0x1800] =	vst v3  }
0xf0: {  	[tilespmem:s30+$0x1A00] =	vst v4  }
0xf1: {  	[tilespmem:s30+$0x1C00] =	vst v5  }
0xf2: {  	[tilespmem:s30+$0x1E00] =	vst v9  }
0xf3: {  	v0 =	vld [tilespmem:$0x1FFD0];
	_ =	sdelay $0x4  }
0xf4: {  	[tilespmem:s30+$0xFFFFE010] =	vst v0  }
0xf5: {  	v0 =	vld [tilespmem:$0x1FFE0];
	_ =	sdelay $0x1  }
0xf6: {  	s0 =	sshll.u32 s3, $0x14  }
0xf7: {  	s0 =	sor.u32 s6, s0  }
0xf8: {  	s0 =	sshrl.u32 s0, $0x3  }
0xf9: {  	s0 =	sadd.s32 s5, s0;
	[tilespmem:s30+$0xFFFFE000] =	vst v0  }
0xfa: {  	[hbm4b:s0+s16] =	stream.strided.scatter [tilespmem:s26], [sflag:$0x3], $0x4000, s25, s16, $0x38;
	[tilespmem:$0x10400] =	vst v63  }
0xfb: {  	_ =	swait.ge [sflag:s28], $0x1000  }
0xfc: {  	[sflag:s28] =	ssyncset.done $0x0  }
0xfd: {  	[sflag:s28] =	ssyncadd.s32 $0xFFFFF000  }
0xfe: {  	_ =	swait.ge [sflag:s28], $0x1000  }
0xff: {  	s11 =	simm.s32 $0x10;
	[sflag:s28] =	ssyncset.done $0x0  }
0x100: {  	v43 =	vmov s11;
	[sflag:s28] =	ssyncadd.s32 $0xFFFFF000  }
0x101: {  	v0 =	vshll.u32 v43, $0x5;
	_ =	swait.ge [sflag:s28], $0x1000  }
0x102: {  	v0 =	vor.u32 v45, v0;
	[sflag:s28] =	ssyncset.done $0x0  }
0x103: {  	[sflag:s28] =	ssyncadd.s32 $0xFFFFF000  }
0x104: {  	_ =	swait.ge [sflag:s28], $0x1000  }
0x105: {  	[sflag:s28] =	ssyncset.done $0x0  }
0x106: {  	[sflag:s28] =	ssyncadd.s32 $0xFFFFF000  }
0x107: {  	v5 =	vld.idx.msk [tilespmem:v0+s17+$0x0], $0xffff  }
0x108: {  	v44 =	vor.u32 $0x1, v0  }
0x109: {  	v46 =	vor.u32 $0x2, v0  }
0x10a: {  	v47 =	vor.u32 $0x3, v0  }
0x10b: {  	v4 =	vor.u32 $0x4, v0  }
0x10c: {  	v6 =	vor.u32 $0x6, v0;
	[tilespmem:$0x1FF60] =	vst v5  }
0x10d: {  	v7 =	vor.u32 $0x7, v0;
	v1 =	vld.idx.msk [tilespmem:v44+s17+$0x0], $0xffff  }
0x10e: {  	v8 =	vor.u32 $0x8, v0;
	v2 =	vld.idx.msk [tilespmem:v46+s17+$0x0], $0xffff  }
0x10f: {  	v9 =	vor.u32 $0x9, v0;
	v3 =	vld.idx.msk [tilespmem:v47+s17+$0x0], $0xffff  }
0x110: {  	v10 =	vor.u32 $0xA, v0;
	v4 =	vld.idx.msk [tilespmem:v4+s17+$0x0], $0xffff  }
0x111: {  	v11 =	vor.u32 $0xB, v0;
	v6 =	vld.idx.msk [tilespmem:v6+s17+$0x0], $0xffff  }
0x112: {  	v12 =	vor.u32 $0xC, v0;
	v7 =	vld.idx.msk [tilespmem:v7+s17+$0x0], $0xffff  }
0x113: {  	v13 =	vor.u32 $0xD, v0;
	v8 =	vld.idx.msk [tilespmem:v8+s17+$0x0], $0xffff  }
0x114: {  	v14 =	vor.u32 $0xE, v0;
	v9 =	vld.idx.msk [tilespmem:v9+s17+$0x0], $0xffff  }
0x115: {  	v15 =	vor.u32 $0xF, v0;
	v10 =	vld.idx.msk [tilespmem:v10+s17+$0x0], $0xffff  }
0x116: {  	v17 =	vor.u32 $0x11, v0;
	v16 =	vld.idx.msk [tilespmem:v11+s17+$0x0], $0xffff  }
0x117: {  	s11 =	simm.s32 $0x0;
	v19 =	vor.u32 $0x13, v0;
	v12 =	vld.idx.msk [tilespmem:v12+s17+$0x0], $0xffff  }
0x118: {  	v23 =	vmov s11;
	v22 =	vor.u32 $0x16, v0;
	v18 =	vld.idx.msk [tilespmem:v13+s17+$0x0], $0xffff  }
0x119: {  	v23 =	vshll.u32 v23, $0x5;
	v24 =	vor.u32 $0x1D, v0;
	v14 =	vld.idx.msk [tilespmem:v14+s17+$0x0], $0xffff  }
0x11a: {  	v50 =	vor.u32 v45, v23;
	v20 =	vld.idx.msk [tilespmem:v15+s17+$0x0], $0xffff  }
0x11b: {  	v11 =	vor.u32 $0x10, v0;
	v17 =	vld.idx.msk [tilespmem:v17+s17+$0x0], $0xffff  }
0x11c: {  	v13 =	vor.u32 $0x12, v0;
	v27 =	vld.idx.msk [tilespmem:v19+s17+$0x0], $0xffff  }
0x11d: {  	v5 =	vor.u32 $0x5, v0;
	v49 =	vld.idx.msk [tilespmem:v22+s17+$0x0], $0xffff  }
0x11e: {  	v15 =	vor.u32 $0x14, v0;
	v31 =	vld.idx.msk [tilespmem:v24+s17+$0x0], $0xffff  }
0x11f: {  	v19 =	vor.u32 $0x18, v0;
	v23 =	vld.idx.msk [tilespmem:v50+s17+$0x0], $0xffff  }
0x120: {  	v21 =	vld.idx.msk [tilespmem:v11+s17+$0x0], $0xffff;
	v11 =	vor.u32 $0x15, v0  }
0x121: {  	v25 =	vld.idx.msk [tilespmem:v13+s17+$0x0], $0xffff;
	v13 =	vor.u32 $0x17, v0  }
0x122: {  	v22 =	vor.u32 $0x1A, v0;
	v5 =	vld.idx.msk [tilespmem:v5+s17+$0x0], $0xffff  }
0x123: {  	v28 =	vld.idx.msk [tilespmem:v15+s17+$0x0], $0xffff;
	v15 =	vor.u32 $0x1F, v0  }
0x124: {  	v41 =	vld.idx.msk [tilespmem:v19+s17+$0x0], $0xffff;
	v19 =	vor.u32 $0x1C, v0  }
0x125: {  	v48 =	vld.idx.msk [tilespmem:v11+s17+$0x0], $0xffff;
	v11 =	vor.u32 $0x19, v0  }
0x126: {  	v40 =	vld.idx.msk [tilespmem:v13+s17+$0x0], $0xffff;
	v13 =	vor.u32 $0x1B, v0  }
0x127: {  	v39 =	vld.idx.msk [tilespmem:v22+s17+$0x0], $0xffff;
	v0 =	vor.u32 $0x1E, v0  }
0x128: {  	v15 =	vld.idx.msk [tilespmem:v15+s17+$0x0], $0xffff  }
0x129: {  	v35 =	vld.idx.msk [tilespmem:v19+s17+$0x0], $0xffff;
	v19 =	vor.u32 $0x3, v50  }
0x12a: {  	v22 =	vor.u32 $0x4, v50;
	v38 =	vld.idx.msk [tilespmem:v11+s17+$0x0], $0xffff  }
0x12b: {  	v51 =	vor.u32 $0x5, v50;
	v37 =	vld.idx.msk [tilespmem:v13+s17+$0x0], $0xffff  }
0x12c: {  	v52 =	vor.u32 $0x7, v50;
	s30 =	simm.s32 $0xE400;
	v32 =	vld.idx.msk [tilespmem:v0+s17+$0x0], $0xffff;
	[tilespmem:$0x1FF70] =	vst v23  }
0x12d: {  	v55 =	vor.u32 $0xB, v50;
	[tilespmem:s30+$0x1E10] =	vst v15  }
0x12e: {  	v56 =	vor.u32 $0xD, v50;
	[tilespmem:s30+$0xFFFFE210] =	vst v1;
	v29 =	vld.idx.msk [tilespmem:v19+s17+$0x0], $0xffff  }
0x12f: {  	v57 =	vor.u32 $0xE, v50;
	[tilespmem:s30+$0xFFFFE410] =	vst v2;
	v26 =	vld.idx.msk [tilespmem:v22+s17+$0x0], $0xffff  }
0x130: {  	v58 =	vor.u32 $0xF, v50;
	[tilespmem:s30+$0xFFFFE610] =	vst v3;
	v24 =	vld.idx.msk [tilespmem:v51+s17+$0x0], $0xffff  }
0x131: {  	v59 =	vor.u32 $0x11, v50;
	[tilespmem:s30+$0xFFFFE810] =	vst v4;
	v19 =	vld.idx.msk [tilespmem:v52+s17+$0x0], $0xffff  }
0x132: {  	v60 =	vor.u32 $0x13, v50;
	[tilespmem:s30+$0xFFFFEE10] =	vst v7;
	v7 =	vld.idx.msk [tilespmem:v55+s17+$0x0], $0xffff  }
0x133: {  	v61 =	vor.u32 $0x14, v50;
	[tilespmem:s30+$0xFFFFEC10] =	vst v6;
	v6 =	vld.idx.msk [tilespmem:v56+s17+$0x0], $0xffff  }
0x134: {  	v62 =	vor.u32 $0x15, v50;
	[tilespmem:s30+$0xFFFFF010] =	vst v8;
	v8 =	vld.idx.msk [tilespmem:v57+s17+$0x0], $0xffff  }
0x135: {  	v11 =	vor.u32 $0x1, v50;
	[tilespmem:s30+$0xFFFFF810] =	vst v12;
	v12 =	vld.idx.msk [tilespmem:v58+s17+$0x0], $0xffff  }
0x136: {  	v4 =	vor.u32 $0xA, v50;
	[tilespmem:s30+$0xFFFFF610] =	vst v16;
	v16 =	vld.idx.msk [tilespmem:v59+s17+$0x0], $0xffff  }
0x137: {  	v63 =	vor.u32 $0x17, v50;
	[tilespmem:s30+$0x10] =	vst v21;
	v21 =	vld.idx.msk [tilespmem:v60+s17+$0x0], $0xffff  }
0x138: {  	v13 =	vor.u32 $0x2, v50;
	[tilespmem:s30+$0x210] =	vst v17;
	v17 =	vld.idx.msk [tilespmem:v61+s17+$0x0], $0xffff  }
0x139: {  	v54 =	vor.u32 $0x9, v50;
	[tilespmem:s30+$0xFFFFFA10] =	vst v18;
	v18 =	vld.idx.msk [tilespmem:v62+s17+$0x0], $0xffff  }
0x13a: {  	[tilespmem:s30+$0xFFFFEA10] =	vst v5;
	v5 =	vor.u32 $0xC, v50;
	v33 =	vld.idx.msk [tilespmem:v11+s17+$0x0], $0xffff  }
0x13b: {  	[tilespmem:s30+$0xFFFFF210] =	vst v9;
	v11 =	vld.idx.msk [tilespmem:v4+s17+$0x0], $0xffff;
	v4 =	vor.u32 $0x10, v50  }
0x13c: {  	v15 =	vor.u32 $0x6, v50;
	[tilespmem:s30+$0x610] =	vst v27;
	v27 =	vld.idx.msk [tilespmem:v63+s17+$0x0], $0xffff  }
0x13d: {  	v53 =	vor.u32 $0x8, v50;
	[tilespmem:s30+$0xFFFFF410] =	vst v10;
	v30 =	vld.idx.msk [tilespmem:v13+s17+$0x0], $0xffff  }
0x13e: {  	v9 =	vor.u32 $0x12, v50;
	[tilespmem:s30+$0xFFFFFC10] =	vst v14;
	v13 =	vld.idx.msk [tilespmem:v54+s17+$0x0], $0xffff  }
0x13f: {  	[tilespmem:s30+$0xFFFFFE10] =	vst v20;
	v42 =	vld.idx.msk [tilespmem:v5+s17+$0x0], $0xffff;
	v5 =	vor.u32 $0x18, v50  }
0x140: {  	[tilespmem:s30+$0x410] =	vst v25;
	v14 =	vld.idx.msk [tilespmem:v4+s17+$0x0], $0xffff;
	v4 =	vor.u32 $0x16, v50  }
0x141: {  	v34 =	vor.u32 $0x19, v50;
	[tilespmem:s30+$0x810] =	vst v28;
	v23 =	vld.idx.msk [tilespmem:v15+s17+$0x0], $0xffff  }
0x142: {  	[tilespmem:s30+$0xA10] =	vst v48;
	v28 =	vor.u32 $0x1A, v50;
	v15 =	vld.idx.msk [tilespmem:v53+s17+$0x0], $0xffff  }
0x143: {  	[tilespmem:s30+$0xC10] =	vst v49;
	v25 =	vor.u32 $0x1B, v50;
	v20 =	vld.idx.msk [tilespmem:v9+s17+$0x0], $0xffff  }
0x144: {  	[tilespmem:s30+$0xE10] =	vst v40;
	v9 =	vor.u32 $0x1C, v50;
	v36 =	vld.idx.msk [tilespmem:v5+s17+$0x0], $0xffff  }
0x145: {  	s31 =	simm.s32 $0x0;
	v43 =	vor.u32 $0x1E, v50;
	s0 =	simm.s32 $0x20;
	v44 =	vor.u32 $0x1F, v50;
	v10 =	vor.u32 $0x1D, v50;
	[tilespmem:s30+$0x1010] =	vst v41;
	v22 =	vld.idx.msk [tilespmem:v4+s17+$0x0], $0xffff  }
.LBB2_5:
0x146: {  	v41 =	vld.idx.msk [tilespmem:v34+s17+$0x0], $0xffff;
	[tilespmem:s30+$0x1210] =	vst v38  }
0x147: {  	v40 =	vld.idx.msk [tilespmem:v28+s17+$0x0], $0xffff;
	[tilespmem:s30+$0x1410] =	vst v39  }
0x148: {  	v39 =	vld.idx.msk [tilespmem:v25+s17+$0x0], $0xffff;
	[tilespmem:s30+$0x1610] =	vst v37  }
0x149: {  	v1 =	vmov s0;
	v38 =	vld.idx.msk [tilespmem:v9+s17+$0x0], $0xffff;
	[tilespmem:s30+$0x1810] =	vst v35  }
0x14a: {  	s11 =	sadd.s32 $0x10, s0;
	v35 =	vld.idx.msk [tilespmem:v10+s17+$0x0], $0xffff;
	[tilespmem:s30+$0x1A10] =	vst v31;
	v1 =	vshll.u32 v1, $0x5  }
0x14b: {  	v31 =	vld.idx.msk [tilespmem:v43+s17+$0x0], $0xffff;
	[tilespmem:s30+$0x1C10] =	vst v32;
	v2 =	vmov s11;
	v0 =	vor.u32 v45, v1  }
0x14c: {  	v60 =	vshll.u32 v2, $0x5;
	v2 =	vld.idx.msk [tilespmem:v44+s17+$0x0], $0xffff;
	[tilespmem:s30+$0xFFFFE200] =	vst v33;
	v61 =	vor.u32 $0x2, v0  }
0x14d: {  	v62 =	vor.u32 $0x4, v0;
	[tilespmem:$0x1FF10] =	vst v61  }
0x14e: {  	v63 =	vor.u32 $0x6, v0;
	[tilespmem:$0x1FF20] =	vst v62  }
0x14f: {  	v32 =	vor.u32 $0x8, v0;
	[tilespmem:$0x1FF30] =	vst v63  }
0x150: {  	v37 =	vor.u32 v45, v60;
	v34 =	vor.u32 $0xC, v0;
	[tilespmem:$0x1FF40] =	vst v32  }
0x151: {  	[tilespmem:$0x1FF50] =	vst v34  }
0x152: {  	v9 =	vor.u32 $0x1, v37;
	v32 =	vld.idx.msk [tilespmem:v0+s17+$0x0], $0xffff;
	[tilespmem:s30+$0xFFFFE400] =	vst v30  }
0x153: {  	v10 =	vor.u32 $0x2, v37;
	[tilespmem:s30+$0xFFFFE600] =	vst v29  }
0x154: {  	v4 =	vor.u32 $0x3, v37;
	[tilespmem:s30+$0xFFFFE800] =	vst v26  }
0x155: {  	v3 =	vor.u32 $0x4, v37;
	v30 =	vld.idx.msk [tilespmem:v37+s17+$0x0], $0xffff;
	[tilespmem:s30+$0xFFFFEA00] =	vst v24  }
0x156: {  	v25 =	vor.u32 $0x5, v37;
	[tilespmem:s30+$0x1E00] =	vst v2;
	v2 =	vld [tilespmem:$0x1FF60]  }
0x157: {  	v1 =	vor.u32 $0xB, v37;
	[tilespmem:s30+$0xFFFFEC00] =	vst v23;
	v29 =	vld.idx.msk [tilespmem:v9+s17+$0x0], $0xffff  }
0x158: {  	v5 =	vor.u32 $0xC, v37;
	[tilespmem:s30+$0xFFFFEE00] =	vst v19;
	v26 =	vld.idx.msk [tilespmem:v10+s17+$0x0], $0xffff  }
0x159: {  	[tilespmem:s30+$0xFFFFF800] =	vst v42;
	v42 =	vor.u32 $0xF, v37;
	v24 =	vld.idx.msk [tilespmem:v4+s17+$0x0], $0xffff  }
0x15a: {  	[tilespmem:s30+$0xFFFFFA00] =	vst v6;
	v6 =	vor.u32 $0x10, v37;
	v23 =	vld.idx.msk [tilespmem:v3+s17+$0x0], $0xffff  }
0x15b: {  	v52 =	vor.u32 $0x1, v0;
	v53 =	vor.u32 $0x3, v0;
	[tilespmem:s30+$0xFFFFFC00] =	vst v8;
	v8 =	vor.u32 $0x11, v37;
	v19 =	vld.idx.msk [tilespmem:v25+s17+$0x0], $0xffff  }
0x15c: {  	v54 =	vor.u32 $0x5, v0;
	v55 =	vor.u32 $0x7, v0;
	[tilespmem:s30+$0xFFFFFE00] =	vst v12;
	v12 =	vor.u32 $0x12, v37;
	v1 =	vld.idx.msk [tilespmem:v1+s17+$0x0], $0xffff  }
0x15d: {  	v51 =	vor.u32 $0xA, v0;
	v56 =	vor.u32 $0xB, v0;
	[tilespmem:s30+$0x0] =	vst v14;
	v14 =	vor.u32 $0x13, v37;
	v5 =	vld.idx.msk [tilespmem:v5+s17+$0x0], $0xffff  }
0x15e: {  	v57 =	vor.u32 $0xD, v0;
	v45 =	vor.u32 $0xE, v0;
	[tilespmem:s30+$0x200] =	vst v16;
	v9 =	vor.u32 $0x6, v37;
	v16 =	vld.idx.msk [tilespmem:v42+s17+$0x0], $0xffff  }
0x15f: {  	v58 =	vor.u32 $0xF, v0;
	v46 =	vor.u32 $0x10, v0;
	[tilespmem:s30+$0x400] =	vst v20;
	v10 =	vor.u32 $0x7, v37;
	v20 =	vld.idx.msk [tilespmem:v6+s17+$0x0], $0xffff  }
0x160: {  	v59 =	vor.u32 $0x11, v0;
	v47 =	vor.u32 $0x12, v0;
	[tilespmem:s30+$0x600] =	vst v21;
	v4 =	vor.u32 $0x8, v37;
	v21 =	vld.idx.msk [tilespmem:v8+s17+$0x0], $0xffff  }
0x161: {  	v60 =	vor.u32 $0x13, v0;
	v48 =	vor.u32 $0x14, v0;
	[tilespmem:s30+$0x800] =	vst v17;
	v3 =	vor.u32 $0x9, v37;
	v17 =	vld.idx.msk [tilespmem:v12+s17+$0x0], $0xffff  }
0x162: {  	v49 =	vor.u32 $0x16, v0;
	v33 =	vor.u32 $0xA, v37;
	v50 =	vor.u32 $0x18, v0;
	[tilespmem:s30+$0xA00] =	vst v18;
	v18 =	vld.idx.msk [tilespmem:v14+s17+$0x0], $0xffff  }
0x163: {  	v28 =	vor.u32 $0x1A, v0;
	v43 =	vor.u32 $0x1E, v0;
	[tilespmem:s30+$0xFFFFF000] =	vst v15;
	v42 =	vor.u32 $0x14, v37;
	v15 =	vld.idx.msk [tilespmem:v9+s17+$0x0], $0xffff  }
0x164: {  	v44 =	vor.u32 $0x1F, v0;
	v63 =	vor.u32 $0x9, v0;
	[tilespmem:s30+$0xFFFFF200] =	vst v13;
	v6 =	vor.u32 $0x15, v37;
	v13 =	vld.idx.msk [tilespmem:v10+s17+$0x0], $0xffff  }
0x165: {  	v61 =	vor.u32 $0x15, v0;
	v62 =	vor.u32 $0x17, v0;
	[tilespmem:s30+$0xFFFFF400] =	vst v11;
	v8 =	vor.u32 $0x16, v37;
	v11 =	vld.idx.msk [tilespmem:v4+s17+$0x0], $0xffff  }
0x166: {  	v34 =	vor.u32 $0x19, v0;
	[tilespmem:s30+$0xFFFFF600] =	vst v7;
	v25 =	vor.u32 $0x1B, v0;
	v12 =	vor.u32 $0x17, v37;
	v7 =	vld.idx.msk [tilespmem:v3+s17+$0x0], $0xffff  }
0x167: {  	v14 =	vor.u32 $0x18, v37;
	v9 =	vor.u32 $0x1C, v0;
	v10 =	vor.u32 $0x1D, v0;
	v0 =	vld.idx.msk [tilespmem:v33+s17+$0x0], $0xffff  }
0x168: {  	[tilespmem:s30+$0xC00] =	vst v22;
	v4 =	vor.u32 $0xD, v37;
	v22 =	vld.idx.msk [tilespmem:v42+s17+$0x0], $0xffff  }
0x169: {  	[tilespmem:s30+$0xE00] =	vst v27;
	v3 =	vor.u32 $0xE, v37;
	v27 =	vld.idx.msk [tilespmem:v6+s17+$0x0], $0xffff  }
0x16a: {  	[tilespmem:s30+$0x1000] =	vst v36;
	v33 =	vor.u32 $0x1F, v37;
	v36 =	vld.idx.msk [tilespmem:v8+s17+$0x0], $0xffff  }
0x16b: {  	[tilespmem:s30+$0x1200] =	vst v41;
	v6 =	vor.u32 $0x19, v37;
	v41 =	vld.idx.msk [tilespmem:v12+s17+$0x0], $0xffff  }
0x16c: {  	[tilespmem:s30+$0x1400] =	vst v40;
	v8 =	vor.u32 $0x1A, v37;
	v40 =	vld.idx.msk [tilespmem:v14+s17+$0x0], $0xffff  }
0x16d: {  	v12 =	vor.u32 $0x1B, v37;
	v4 =	vld.idx.msk [tilespmem:v4+s17+$0x0], $0xffff  }
0x16e: {  	v14 =	vor.u32 $0x1C, v37;
	v3 =	vld.idx.msk [tilespmem:v3+s17+$0x0], $0xffff  }
0x16f: {  	v42 =	vor.u32 $0x1D, v37;
	v33 =	vld.idx.msk [tilespmem:v33+s17+$0x0], $0xffff  }
0x170: {  	[tilespmem:s30+$0x1800] =	vst v38;
	v38 =	vld.idx.msk [tilespmem:v6+s17+$0x0], $0xffff  }
0x171: {  	[tilespmem:s30+$0x1600] =	vst v39;
	v39 =	vld.idx.msk [tilespmem:v8+s17+$0x0], $0xffff  }
0x172: {  	[tilespmem:s30+$0x1A00] =	vst v35;
	v6 =	vor.u32 $0x1E, v37;
	v37 =	vld.idx.msk [tilespmem:v12+s17+$0x0], $0xffff  }
0x173: {  	v35 =	vld.idx.msk [tilespmem:v14+s17+$0x0], $0xffff;
	[tilespmem:s30+$0xFFFFE010] =	vst v2  }
0x174: {  	[tilespmem:s30+$0x1C00] =	vst v31;
	v31 =	vld.idx.msk [tilespmem:v42+s17+$0x0], $0xffff  }
0x175: {  	v42 =	vld [tilespmem:$0x1FF70];
	_ =	sdelay $0x4  }
0x176: {  	[tilespmem:s30+$0xFFFFE000] =	vst v42;
	s30 =	sadd.s32 $0x20, s30;
	v42 =	vmov v32;
	v32 =	vld.idx.msk [tilespmem:v6+s17+$0x0], $0xffff  }
0x177: {  	[tilespmem:s30+$0x1E10] =	vst v33;
	v33 =	vld.idx.msk [tilespmem:v52+s17+$0x0], $0xffff  }
0x178: {  	v52 =	vld [tilespmem:$0x1FF10]  }
0x179: {  	[tilespmem:s30+$0xFFFFE210] =	vst v29;
	v29 =	vld.idx.msk [tilespmem:v53+s17+$0x0], $0xffff  }
0x17a: {  	v53 =	vld [tilespmem:$0x1FF20]  }
0x17b: {  	[tilespmem:s30+$0xFFFFE610] =	vst v24;
	v24 =	vld.idx.msk [tilespmem:v54+s17+$0x0], $0xffff  }
0x17c: {  	v54 =	vld [tilespmem:$0x1FF30]  }
0x17d: {  	v2 =	vmov v30;
	[tilespmem:s30+$0xFFFFEA10] =	vst v19;
	v19 =	vld.idx.msk [tilespmem:v55+s17+$0x0], $0xffff  }
0x17e: {  	[tilespmem:$0x1FF60] =	vst v2;
	v55 =	vld [tilespmem:$0x1FF40]  }
0x17f: {  	[tilespmem:s30+$0xFFFFEE10] =	vst v13;
	v13 =	vld.idx.msk [tilespmem:v63+s17+$0x0], $0xffff  }
0x180: {  	[tilespmem:s30+$0xFFFFF010] =	vst v11;
	v11 =	vld.idx.msk [tilespmem:v51+s17+$0x0], $0xffff  }
0x181: {  	[tilespmem:s30+$0xFFFFF210] =	vst v7;
	v7 =	vld.idx.msk [tilespmem:v56+s17+$0x0], $0xffff  }
0x182: {  	[tilespmem:$0x1FF70] =	vst v42;
	v63 =	vld [tilespmem:$0x1FF50]  }
0x183: {  	[tilespmem:s30+$0xFFFFE410] =	vst v26;
	v6 =	vld.idx.msk [tilespmem:v57+s17+$0x0], $0xffff  }
0x184: {  	[tilespmem:s30+$0xFFFFE810] =	vst v23;
	v8 =	vld.idx.msk [tilespmem:v45+s17+$0x0], $0xffff  }
0x185: {  	[tilespmem:s30+$0xFFFFEC10] =	vst v15;
	v45 =	vld [tilespmem:$0x1FFF0]  }
0x186: {  	[tilespmem:s30+$0xFFFFF410] =	vst v0;
	v12 =	vld.idx.msk [tilespmem:v58+s17+$0x0], $0xffff  }
0x187: {  	[tilespmem:s30+$0xFFFFF610] =	vst v1;
	v14 =	vld.idx.msk [tilespmem:v46+s17+$0x0], $0xffff  }
0x188: {  	[tilespmem:s30+$0xFFFFFE10] =	vst v16;
	v16 =	vld.idx.msk [tilespmem:v59+s17+$0x0], $0xffff  }
0x189: {  	[tilespmem:s30+$0x10] =	vst v20;
	v20 =	vld.idx.msk [tilespmem:v47+s17+$0x0], $0xffff  }
0x18a: {  	[tilespmem:s30+$0x210] =	vst v21;
	v21 =	vld.idx.msk [tilespmem:v60+s17+$0x0], $0xffff  }
0x18b: {  	[tilespmem:s30+$0x410] =	vst v17;
	v17 =	vld.idx.msk [tilespmem:v48+s17+$0x0], $0xffff  }
0x18c: {  	[tilespmem:s30+$0x610] =	vst v18;
	v18 =	vld.idx.msk [tilespmem:v61+s17+$0x0], $0xffff  }
0x18d: {  	[tilespmem:s30+$0x810] =	vst v22;
	v22 =	vld.idx.msk [tilespmem:v49+s17+$0x0], $0xffff  }
0x18e: {  	s31 =	sadd.s32 $0x2, s31;
	[tilespmem:s30+$0xA10] =	vst v27;
	v27 =	vld.idx.msk [tilespmem:v62+s17+$0x0], $0xffff  }
0x18f: {  	p0 =	slt.u32 s31, $0x1E;
	[tilespmem:s30+$0xC10] =	vst v36;
	v36 =	vld.idx.msk [tilespmem:v50+s17+$0x0], $0xffff  }
.Ltmp1:
0x190: {  	[tilespmem:s30+$0xFFFFF810] =	vst v5;
	v30 =	vld.idx.msk [tilespmem:v52+s17+$0x0], $0xffff;
	(pc) =	sbr.rel @p0 .LBB2_5-.Ltmp1, $4  }
0x191: {  	[tilespmem:s30+$0xFFFFFA10] =	vst v4;
	v26 =	vld.idx.msk [tilespmem:v53+s17+$0x0], $0xffff  }
0x192: {  	[tilespmem:s30+$0xFFFFFC10] =	vst v3;
	v23 =	vld.idx.msk [tilespmem:v54+s17+$0x0], $0xffff  }
0x193: {  	[tilespmem:s30+$0xE10] =	vst v41;
	v15 =	vld.idx.msk [tilespmem:v55+s17+$0x0], $0xffff  }
0x194: {  	s0 =	sadd.s32 $0x20, s0;
	[tilespmem:s30+$0x1010] =	vst v40;
	v42 =	vld.idx.msk [tilespmem:v63+s17+$0x0], $0xffff  }
0x195: {  	_ =	sdelay $0x3  }
0x196: {  	v0 =	vld.idx.msk [tilespmem:v34+s17+$0x0], $0xffff;
	[tilespmem:s30+$0x1210] =	vst v38  }
0x197: {  	v1 =	vld.idx.msk [tilespmem:v28+s17+$0x0], $0xffff;
	[tilespmem:s30+$0x1410] =	vst v39  }
0x198: {  	v2 =	vld.idx.msk [tilespmem:v25+s17+$0x0], $0xffff;
	[tilespmem:s30+$0x1610] =	vst v37  }
0x199: {  	v3 =	vld.idx.msk [tilespmem:v9+s17+$0x0], $0xffff;
	[tilespmem:s30+$0x1810] =	vst v35  }
0x19a: {  	v4 =	vld.idx.msk [tilespmem:v10+s17+$0x0], $0xffff;
	[tilespmem:s30+$0x1A10] =	vst v31  }
0x19b: {  	v5 =	vld.idx.msk [tilespmem:v43+s17+$0x0], $0xffff;
	[tilespmem:s30+$0x1C10] =	vst v32  }
0x19c: {  	v63 =	vld.idx.msk [tilespmem:v44+s17+$0x0], $0xffff;
	[tilespmem:s30+$0xFFFFE200] =	vst v33  }
0x19d: {  	[tilespmem:s30+$0xFFFFE400] =	vst v30  }
0x19e: {  	[tilespmem:s30+$0xFFFFE600] =	vst v29  }
0x19f: {  	[tilespmem:s30+$0xFFFFEA00] =	vst v24  }
0x1a0: {  	[tilespmem:s30+$0xFFFFEE00] =	vst v19  }
0x1a1: {  	[tilespmem:s30+$0xFFFFF200] =	vst v13  }
0x1a2: {  	[tilespmem:s30+$0xFFFFF400] =	vst v11  }
0x1a3: {  	[tilespmem:s30+$0xFFFFF600] =	vst v7  }
0x1a4: {  	[tilespmem:s30+$0xFFFFFA00] =	vst v6  }
0x1a5: {  	[tilespmem:s30+$0xFFFFFC00] =	vst v8  }
0x1a6: {  	[tilespmem:s30+$0xFFFFFE00] =	vst v12  }
0x1a7: {  	[tilespmem:s30+$0x0] =	vst v14  }
0x1a8: {  	[tilespmem:s30+$0x200] =	vst v16  }
0x1a9: {  	[tilespmem:s30+$0x400] =	vst v20  }
0x1aa: {  	[tilespmem:s30+$0x600] =	vst v21  }
0x1ab: {  	[tilespmem:s30+$0x800] =	vst v17  }
0x1ac: {  	[tilespmem:s30+$0xA00] =	vst v18  }
0x1ad: {  	[tilespmem:s30+$0xC00] =	vst v22  }
0x1ae: {  	[tilespmem:s30+$0xE00] =	vst v27  }
0x1af: {  	[tilespmem:s30+$0x1000] =	vst v36  }
0x1b0: {  	[tilespmem:s30+$0xFFFFE800] =	vst v26  }
0x1b1: {  	[tilespmem:s30+$0xFFFFEC00] =	vst v23  }
0x1b2: {  	[tilespmem:s30+$0xFFFFF000] =	vst v15  }
0x1b3: {  	[tilespmem:s30+$0xFFFFF800] =	vst v42  }
0x1b4: {  	[tilespmem:s30+$0x1200] =	vst v0  }
0x1b5: {  	[tilespmem:s30+$0x1400] =	vst v1  }
0x1b6: {  	[tilespmem:s30+$0x1600] =	vst v2  }
0x1b7: {  	[tilespmem:s30+$0x1800] =	vst v3  }
0x1b8: {  	[tilespmem:s30+$0x1A00] =	vst v4  }
0x1b9: {  	[tilespmem:s30+$0x1C00] =	vst v5  }
0x1ba: {  	[tilespmem:s30+$0x1E00] =	vst v63  }
0x1bb: {  	v0 =	vld [tilespmem:$0x1FF60];
	_ =	sdelay $0x4  }
0x1bc: {  	[tilespmem:s30+$0xFFFFE010] =	vst v0  }
0x1bd: {  	s3 =	sadd.s32 $0x1, s3;
	v0 =	vld [tilespmem:$0x1FF70]  }
0x1be: {  	p0 =	sne.s32 s3, $0x19  }
.Ltmp2:
0x1bf: {  	s0 =	sshll.u32 s7, $0x13;
	(pc) =	sbr.rel @p0 .LBB2_2-.Ltmp2, $4  }
0x1c0: {  	s0 =	sor.u32 s6, s0  }
0x1c1: {  	s0 =	sshrl.u32 s0, $0x3  }
0x1c2: {  	s0 =	sadd.s32 s5, s0;
	[tilespmem:s30+$0xFFFFE000] =	vst v0  }
0x1c3: {  	[hbm4b:s0+s16] =	stream.strided.scatter [tilespmem:s29], [sflag:$0x4], $0x4000, s25, s16, $0x38;
	[tilespmem:$0x10400] =	vst v63  }
0x1c4: {  	s0 =	simm.s32 $0x3  }
0x1c5: {  	_ =	swait.ge [sflag:s0], $0x4000  }
0x1c6: {  	[sflag:s0] =	ssyncset.done $0x0  }
0x1c7: {  	s3 =	simm.s32 $0x4;
	[sflag:s0] =	ssyncadd.s32 $0xFFFFC000  }
0x1c8: {  	_ =	swait.ge [sflag:s3], $0x4000  }
0x1c9: {  	s7 =	rddreg [dreg:$0x4]  }
0x1ca: {  	s31 =	rddreg [dreg:$0x3];
	s7 =	sadd.s32 $0x1, s7  }
0x1cb: {  	p0 =	sne.s32 s7, s31  }
.Ltmp3:
0x1cc: {  	_ = 	snop;
	(pc) =	sbr.rel @p0 .LBB2_1-.Ltmp3, $3  }
0x1cd: {  	_ =	sdelay $0x1  }
0x1ce: {  	[sflag:s3] =	ssyncset.done $0x0  }
0x1cf: {  	[sflag:s3] =	ssyncadd.s32 $0xFFFFC000  }
0x1d0: {  	_ =	sfence.sel $0x180000  }
0x1d1: {  	[bflag:$0x0] =	sbarrier.arrive $0xFFFF  }
0x1d2: {  	_ =	strace $0x90000047  }
0x1d3: {  	s0 =	stileid.u32;
	[bflag:$0x2] =	sbarrier.arrive $0xFFFF  }
0x1d4: {  	p0 =	sne.s32 s0, $0x0;
	s0 =	rddreg [dreg:$0x2]  }
0x1d5: {  	s0 =	sadd.s32 @!p0 $0x100000, s0  }
0x1d6: {  	[sflag:s0] =	ssyncadd.tile.s32 @!p0 $0x1;
	_ =	shalt  }
.Lfunc_end2:
_tile_overlayer_lowered:
.L_overlay_start_2:
0x1d7: {  	(tag) =	ssettag $0x2  }
0x1d8: {  	s0 =	rddreg [dreg:$0x0];
	s2 =	stileid.u32  }
0x1d9: {  	s1 =	rddreg [dreg:$0x1];
	p0 =	sne.s32 s2, $0x0  }
0x1da: {  	s3 =	rddreg [dreg:$0x2];
	[bflag:$0x3] =	sbarrier.arrive $0xFFFF;
	s2 =	simm.s32 @!p0 $0x1C05  }
0x1db: {  	[timem:s3], [sflag:s2] =	dma.local @!p0 [hbm:s0], s1  }
0x1dc: {  	s0 =	simm.s32 @!p0 $0x5  }
0x1dd: {  	_ =	swait.ge @!p0 [sflag:s0], s1  }
0x1de: {  	s1 =	ssub.s32 @!p0 $0x0, s1;
	[sflag:s0] =	ssyncset.done @!p0 $0x0  }
0x1df: {  	[sflag:s0] =	ssyncadd.s32 @!p0 s1  }
0x1e0: {  	[bflag:$0x3] =	sbarrier.arrive $0xFFFF  }
0x1e1: {  	_ =	shalt  }

</sc_bundles>
